<compile_context>
chip_gen: v7x
topology: tpu7x:2x2x1
jax: 0.10.2.dev20260603
libtpu: 0.0.44.dev20260713+nightly
codegen_flags: <defaults>
</compile_context>

<pallas_src>
import functools

import jax
import jax.numpy as jnp
from jax import lax
from jax.experimental import pallas as pl
from jax.experimental.pallas import tpu as pltpu
from jax.experimental.pallas import tpu_sc as plsc

B = 16384
D = 32
W = 128

_NC, _NS = 2, 16
_NW = _NC * _NS
_BPW = B // _NW
_CHUNK = 128
_NCH = _BPW // _CHUNK


def _sc_gather(user_idx2d, item_idx2d, usr, itm):
  mesh = plsc.VectorSubcoreMesh(core_axis_name="c", subcore_axis_name="s")

  out_t = jax.ShapeDtypeStruct((B, W), jnp.float32)
  buf_t = pltpu.VMEM((_CHUNK, W), jnp.float32)

  @functools.partial(
      pl.kernel,
      mesh=mesh,
      out_type=[out_t, out_t],
      scratch_types=[
          pltpu.VMEM((_NCH, _CHUNK), jnp.int32),
          pltpu.VMEM((_NCH, _CHUNK), jnp.int32),
          buf_t, buf_t, buf_t, buf_t,
          pltpu.SemaphoreType.DMA,
      ],
  )
  def k(uidx_hbm, iidx_hbm, usr_hbm, itm_hbm, u_o, i_o,
        uidx_v, iidx_v, ub0, ub1, ib0, ib1, sem):
    wid = lax.axis_index("s") * _NC + lax.axis_index("c")
    base = wid * _BPW
    crow = wid * _NCH
    pltpu.sync_copy(uidx_hbm.at[pl.ds(crow, _NCH)], uidx_v)
    pltpu.sync_copy(iidx_hbm.at[pl.ds(crow, _NCH)], iidx_v)
    ubufs = (ub0, ub1)
    ibufs = (ib0, ib1)
    prev = None
    for c in range(_NCH):
      cu = pltpu.async_copy(usr_hbm.at[uidx_v.at[c]], ubufs[c % 2], sem)
      ci = pltpu.async_copy(itm_hbm.at[iidx_v.at[c]], ibufs[c % 2], sem)
      if prev is not None:
        pcu, pci, pc = prev
        pcu.wait()
        pci.wait()
        out_sl = pl.ds(base + pc * _CHUNK, _CHUNK)
        pltpu.sync_copy(ubufs[pc % 2], u_o.at[out_sl])
        pltpu.sync_copy(ibufs[pc % 2], i_o.at[out_sl])
      prev = (cu, ci, c)
    pcu, pci, pc = prev
    pcu.wait()
    pci.wait()
    out_sl = pl.ds(base + pc * _CHUNK, _CHUNK)
    pltpu.sync_copy(ubufs[pc % 2], u_o.at[out_sl])
    pltpu.sync_copy(ibufs[pc % 2], i_o.at[out_sl])

  return k(user_idx2d, item_idx2d, usr, itm)


def _tc_dense_body(u_r, i_r, gw_r, gb_r, w1a_r, w1b_r, b1_r,
                   w2_r, b2_r, w3_r, b3_r, w4_r, b4_r, out_r):
  u = u_r[...]
  it = i_r[...]
  ug = u[:, :D]
  um = u[:, D:2 * D]
  ig = it[:, :D]
  im = it[:, D:2 * D]
  gmf_logit = jnp.sum(ug * ig * gw_r[...], axis=1, keepdims=True) + gb_r[0, 0]
  h = jnp.maximum(
      jnp.dot(um, w1a_r[...], preferred_element_type=jnp.float32)
      + jnp.dot(im, w1b_r[...], preferred_element_type=jnp.float32)
      + b1_r[...], 0.0)
  h = jnp.maximum(
      jnp.dot(h, w2_r[...], preferred_element_type=jnp.float32) + b2_r[...],
      0.0)
  h = jnp.maximum(
      jnp.dot(h, w3_r[...], preferred_element_type=jnp.float32) + b3_r[...],
      0.0)
  mlp_logit = jnp.sum(h * w4_r[...], axis=1, keepdims=True) + b4_r[0, 0]
  out_r[...] = 0.5 * (jax.nn.sigmoid(gmf_logit) + jax.nn.sigmoid(mlp_logit))


def kernel(user_indices, item_indices, emb_user_gmf, emb_user_mlp,
           emb_item_gmf, emb_item_mlp, gmf_w, gmf_b, w1, b1, w2, b2, w3, b3,
           w4, b4):
  uidx = jnp.asarray(user_indices, jnp.int32).reshape(B // _CHUNK, _CHUNK)
  iidx = jnp.asarray(item_indices, jnp.int32).reshape(B // _CHUNK, _CHUNK)

  uzero = jnp.zeros((emb_user_gmf.shape[0], W - 2 * D), jnp.float32)
  izero = jnp.zeros((emb_item_gmf.shape[0], W - 2 * D), jnp.float32)
  usr = jnp.concatenate([emb_user_gmf, emb_user_mlp, uzero], axis=1)
  itm = jnp.concatenate([emb_item_gmf, emb_item_mlp, izero], axis=1)

  urows, irows = _sc_gather(uidx, iidx, usr, itm)

  gw = gmf_w.reshape(1, D)
  gb = gmf_b.reshape(1, 1)
  w1a = w1[:D]
  w1b = w1[D:]
  b1r = b1.reshape(1, -1)
  b2r = b2.reshape(1, -1)
  b3r = b3.reshape(1, -1)
  w4r = w4.reshape(1, -1)
  b4r = b4.reshape(1, 1)

  blk = 4096
  grid = B // blk

  def row_spec():
    return pl.BlockSpec((blk, W), lambda i: (i, 0))

  def full_spec(shape):
    return pl.BlockSpec(shape, lambda i: tuple(0 for _ in shape))

  out = pl.pallas_call(
      _tc_dense_body,
      grid=(grid,),
      in_specs=[
          row_spec(), row_spec(),
          full_spec(gw.shape), full_spec(gb.shape),
          full_spec(w1a.shape), full_spec(w1b.shape), full_spec(b1r.shape),
          full_spec(w2.shape), full_spec(b2r.shape),
          full_spec(w3.shape), full_spec(b3r.shape),
          full_spec(w4r.shape), full_spec(b4r.shape),
      ],
      out_specs=pl.BlockSpec((blk, 1), lambda i: (i, 0)),
      out_shape=jax.ShapeDtypeStruct((B, 1), jnp.float32),
  )(urows, irows, gw, gb, w1a, w1b, b1r, w2, b2r, w3, b3r, w4r, b4r)
  return out

# --- scband reference (transcript-rebuilt; emitter-appended) ---
"""Pipeline reference for scband-nmf-51041391345796 (READ-ONLY COPY).

The authoritative reference and input builder live on the scoring server;
editing this copy changes nothing except your own understanding.
"""

import jax, jax.numpy as jnp
import numpy as np

B = 16384
U = 1000000
I = 100000
D = 32


def setup_inputs(seed: int = 0) -> dict:
    key = jax.random.key(seed)
    ks = jax.random.split(key, 16)
    inp = {}
    inp["user_indices"] = jax.random.randint(ks[0], (B,), 0, U, dtype=jnp.int64) if jax.config.jax_enable_x64 else jax.random.randint(ks[0], (B,), 0, U)
    inp["item_indices"] = jax.random.randint(ks[1], (B,), 0, I)
    inp["emb_user_gmf"] = jax.random.normal(ks[2], (U, D), dtype=jnp.float32) * 0.02
    inp["emb_user_mlp"] = jax.random.normal(ks[3], (U, D), dtype=jnp.float32) * 0.02
    inp["emb_item_gmf"] = jax.random.normal(ks[4], (I, D), dtype=jnp.float32) * 0.02
    inp["emb_item_mlp"] = jax.random.normal(ks[5], (I, D), dtype=jnp.float32) * 0.02
    inp["gmf_w"] = jax.random.normal(ks[6], (D, 1), dtype=jnp.float32) * 0.1
    inp["gmf_b"] = jnp.zeros((1,), dtype=jnp.float32)
    inp["w1"] = jax.random.normal(ks[7], (2 * D, 64), dtype=jnp.float32) * 0.1
    inp["b1"] = jnp.zeros((64,), dtype=jnp.float32)
    inp["w2"] = jax.random.normal(ks[8], (64, 32), dtype=jnp.float32) * 0.1
    inp["b2"] = jnp.zeros((32,), dtype=jnp.float32)
    inp["w3"] = jax.random.normal(ks[9], (32, 16), dtype=jnp.float32) * 0.1
    inp["b3"] = jnp.zeros((16,), dtype=jnp.float32)
    inp["w4"] = jax.random.normal(ks[10], (16, 1), dtype=jnp.float32) * 0.1
    inp["b4"] = jnp.zeros((1,), dtype=jnp.float32)
    return inp


def reference(user_indices, item_indices, emb_user_gmf, emb_user_mlp, emb_item_gmf, emb_item_mlp, gmf_w, gmf_b, w1, b1, w2, b2, w3, b3, w4, b4):
    # embedding lookups (gather)
    ue_g = jnp.take(emb_user_gmf, user_indices, axis=0)
    ue_m = jnp.take(emb_user_mlp, user_indices, axis=0)
    ie_g = jnp.take(emb_item_gmf, item_indices, axis=0)
    ie_m = jnp.take(emb_item_mlp, item_indices, axis=0)
    # GMF branch
    element_product = ue_g * ie_g
    gmf_logits = element_product @ gmf_w + gmf_b
    gmf_rating = jax.nn.sigmoid(gmf_logits)
    # MLP branch
    emb = jnp.concatenate([ue_m, ie_m], axis=1)
    h = jax.nn.relu(emb @ w1 + b1)
    h = jax.nn.relu(h @ w2 + b2)
    h = jax.nn.relu(h @ w3 + b3)
    mlp_rating = jax.nn.sigmoid(h @ w4 + b4)
    return 0.5 * gmf_rating + 0.5 * mlp_rating

if __name__ == "__main__":
    import jax
    _d = setup_inputs()
    print(jax.jit(kernel)(*tuple(_d.values())))

</pallas_src>

<mosaic_0001>
#map = affine_map<(d0, d1) -> (0, 0)>
module attributes {stable_mosaic.version = 14 : i64} {
  func.func @k(%arg0: i32, %arg1: i32, %arg2: memref<128x128xi32, #tpu.memory_space<hbm>>, %arg3: memref<128x128xi32, #tpu.memory_space<hbm>>, %arg4: memref<1000000x128xf32, #tpu.memory_space<hbm>>, %arg5: memref<100000x128xf32, #tpu.memory_space<hbm>>, %arg6: memref<16384x128xf32, #tpu.memory_space<hbm>>, %arg7: memref<16384x128xf32, #tpu.memory_space<hbm>>, %arg8: memref<4x128xi32, #tpu.memory_space<vmem>>, %arg9: memref<4x128xi32, #tpu.memory_space<vmem>>, %arg10: memref<128x128xf32, #tpu.memory_space<vmem>>, %arg11: memref<128x128xf32, #tpu.memory_space<vmem>>, %arg12: memref<128x128xf32, #tpu.memory_space<vmem>>, %arg13: memref<128x128xf32, #tpu.memory_space<vmem>>, %arg14: memref<!tpu.dma_semaphore, #tpu.memory_space<semaphore_mem>>) attributes {dimension_semantics = [#tpu.dimension_semantics<core_parallel>, #tpu.dimension_semantics<subcore_parallel>], iteration_bounds = array<i64: 2, 16>, scalar_prefetch = 0 : i64, scratch_operands = 7 : i64, tpu.core_type = #tpu.core_type<sc_vector_subcore>, window_params = [{transform_indices = #map}, {transform_indices = #map}, {transform_indices = #map}, {transform_indices = #map}, {transform_indices = #map}, {transform_indices = #map}]} {
    %mul3A = arith.constant 2 : i32
    %mul3A_0 = arith.muli %arg1, %mul3A : i32
    %add3A = arith.addi %mul3A_0, %arg0 : i32
    %mul3A_1 = arith.constant 512 : i32
    %mul3A_2 = arith.muli %add3A, %mul3A_1 : i32
    %mul3A_3 = arith.constant 4 : i32
    %mul3A_4 = arith.muli %add3A, %mul3A_3 : i32
    "tpu.region"() ({
      %run_scoped3A = tpu.sem_alloc : memref<!tpu.dma_semaphore, #tpu.memory_space<semaphore_mem>>
      %dma_start3A_123 = arith.constant 0 : i32
      %dma_start3A_124 = tpu.memref_slice %arg2[%mul3A_4, %dma_start3A_123] : memref<128x128xi32, #tpu.memory_space<hbm>> -> memref<4x128xi32, #tpu.memory_space<hbm>>
      %dma_start3A_125 = arith.constant 0 : i32
      %dma_start3A_126 = tpu.memref_slice %arg2[%mul3A_4, %dma_start3A_125] : memref<128x128xi32, #tpu.memory_space<hbm>> -> memref<4x128xi32, #tpu.memory_space<hbm>>
      tpu.enqueue_dma source(%dma_start3A_126 : memref<4x128xi32, #tpu.memory_space<hbm>>) target(%arg8 : memref<4x128xi32, #tpu.memory_space<vmem>>) target_semaphore(%run_scoped3A : memref<!tpu.dma_semaphore, #tpu.memory_space<semaphore_mem>>)
      %dma_wait3A_127 = arith.constant 0 : i32
      %dma_wait3A_128 = tpu.memref_slice %arg2[%mul3A_4, %dma_wait3A_127] : memref<128x128xi32, #tpu.memory_space<hbm>> -> memref<4x128xi32, #tpu.memory_space<hbm>>
      %dma_wait3A_129 = arith.constant 0 : i32
      %dma_wait3A_130 = tpu.memref_slice %arg2[%mul3A_4, %dma_wait3A_129] : memref<128x128xi32, #tpu.memory_space<hbm>> -> memref<4x128xi32, #tpu.memory_space<hbm>>
      tpu.wait_dma2 semaphore(%run_scoped3A : memref<!tpu.dma_semaphore, #tpu.memory_space<semaphore_mem>>) src(%dma_wait3A_130 : memref<4x128xi32, #tpu.memory_space<hbm>>) dst(%arg8 : memref<4x128xi32, #tpu.memory_space<vmem>>)
      tpu.yield
    }) : () -> ()
    "tpu.region"() ({
      %run_scoped3A = tpu.sem_alloc : memref<!tpu.dma_semaphore, #tpu.memory_space<semaphore_mem>>
      %dma_start3A_123 = arith.constant 0 : i32
      %dma_start3A_124 = tpu.memref_slice %arg3[%mul3A_4, %dma_start3A_123] : memref<128x128xi32, #tpu.memory_space<hbm>> -> memref<4x128xi32, #tpu.memory_space<hbm>>
      %dma_start3A_125 = arith.constant 0 : i32
      %dma_start3A_126 = tpu.memref_slice %arg3[%mul3A_4, %dma_start3A_125] : memref<128x128xi32, #tpu.memory_space<hbm>> -> memref<4x128xi32, #tpu.memory_space<hbm>>
      tpu.enqueue_dma source(%dma_start3A_126 : memref<4x128xi32, #tpu.memory_space<hbm>>) target(%arg9 : memref<4x128xi32, #tpu.memory_space<vmem>>) target_semaphore(%run_scoped3A : memref<!tpu.dma_semaphore, #tpu.memory_space<semaphore_mem>>)
      %dma_wait3A_127 = arith.constant 0 : i32
      %dma_wait3A_128 = tpu.memref_slice %arg3[%mul3A_4, %dma_wait3A_127] : memref<128x128xi32, #tpu.memory_space<hbm>> -> memref<4x128xi32, #tpu.memory_space<hbm>>
      %dma_wait3A_129 = arith.constant 0 : i32
      %dma_wait3A_130 = tpu.memref_slice %arg3[%mul3A_4, %dma_wait3A_129] : memref<128x128xi32, #tpu.memory_space<hbm>> -> memref<4x128xi32, #tpu.memory_space<hbm>>
      tpu.wait_dma2 semaphore(%run_scoped3A : memref<!tpu.dma_semaphore, #tpu.memory_space<semaphore_mem>>) src(%dma_wait3A_130 : memref<4x128xi32, #tpu.memory_space<hbm>>) dst(%arg9 : memref<4x128xi32, #tpu.memory_space<vmem>>)
      tpu.yield
    }) : () -> ()
    %dma_start3A = arith.constant 0 : i32
    %dma_start3A_5 = arith.constant 0 : i32
    %dma_start3A_6 = tpu.memref_slice %arg8[%dma_start3A, %dma_start3A_5] : memref<4x128xi32, #tpu.memory_space<vmem>> -> memref<1x128xi32, #tpu.memory_space<vmem>>
    %dma_start3A_7 = tpu.memref_squeeze %dma_start3A_6 : memref<1x128xi32, #tpu.memory_space<vmem>> -> memref<128xi32, #tpu.memory_space<vmem>>
    %dma_start3A_8 = arith.constant 0 : i32
    %dma_start3A_9 = arith.constant 0 : i32
    %dma_start3A_10 = tpu.memref_slice %arg4[%dma_start3A_8, %dma_start3A_9] : memref<1000000x128xf32, #tpu.memory_space<hbm>> -> memref<1000000x128xf32, #tpu.memory_space<hbm>>
    tpu.enqueue_indirect_dma source(%dma_start3A_10 : memref<1000000x128xf32, #tpu.memory_space<hbm>>) target(%arg10 : memref<128x128xf32, #tpu.memory_space<vmem>>) offsets(%dma_start3A_7 : memref<128xi32, #tpu.memory_space<vmem>>) semaphore(%arg14 : memref<!tpu.dma_semaphore, #tpu.memory_space<semaphore_mem>>)
    %dma_start3A_11 = arith.constant 0 : i32
    %dma_start3A_12 = arith.constant 0 : i32
    %dma_start3A_13 = tpu.memref_slice %arg9[%dma_start3A_11, %dma_start3A_12] : memref<4x128xi32, #tpu.memory_space<vmem>> -> memref<1x128xi32, #tpu.memory_space<vmem>>
    %dma_start3A_14 = tpu.memref_squeeze %dma_start3A_13 : memref<1x128xi32, #tpu.memory_space<vmem>> -> memref<128xi32, #tpu.memory_space<vmem>>
    %dma_start3A_15 = arith.constant 0 : i32
    %dma_start3A_16 = arith.constant 0 : i32
    %dma_start3A_17 = tpu.memref_slice %arg5[%dma_start3A_15, %dma_start3A_16] : memref<100000x128xf32, #tpu.memory_space<hbm>> -> memref<100000x128xf32, #tpu.memory_space<hbm>>
    tpu.enqueue_indirect_dma source(%dma_start3A_17 : memref<100000x128xf32, #tpu.memory_space<hbm>>) target(%arg12 : memref<128x128xf32, #tpu.memory_space<vmem>>) offsets(%dma_start3A_14 : memref<128xi32, #tpu.memory_space<vmem>>) semaphore(%arg14 : memref<!tpu.dma_semaphore, #tpu.memory_space<semaphore_mem>>)
    %dma_start3A_18 = arith.constant 1 : i32
    %dma_start3A_19 = arith.constant 0 : i32
    %dma_start3A_20 = tpu.memref_slice %arg8[%dma_start3A_18, %dma_start3A_19] : memref<4x128xi32, #tpu.memory_space<vmem>> -> memref<1x128xi32, #tpu.memory_space<vmem>>
    %dma_start3A_21 = tpu.memref_squeeze %dma_start3A_20 : memref<1x128xi32, #tpu.memory_space<vmem>> -> memref<128xi32, #tpu.memory_space<vmem>>
    %dma_start3A_22 = arith.constant 0 : i32
    %dma_start3A_23 = arith.constant 0 : i32
    %dma_start3A_24 = tpu.memref_slice %arg4[%dma_start3A_22, %dma_start3A_23] : memref<1000000x128xf32, #tpu.memory_space<hbm>> -> memref<1000000x128xf32, #tpu.memory_space<hbm>>
    tpu.enqueue_indirect_dma source(%dma_start3A_24 : memref<1000000x128xf32, #tpu.memory_space<hbm>>) target(%arg11 : memref<128x128xf32, #tpu.memory_space<vmem>>) offsets(%dma_start3A_21 : memref<128xi32, #tpu.memory_space<vmem>>) semaphore(%arg14 : memref<!tpu.dma_semaphore, #tpu.memory_space<semaphore_mem>>)
    %dma_start3A_25 = arith.constant 1 : i32
    %dma_start3A_26 = arith.constant 0 : i32
    %dma_start3A_27 = tpu.memref_slice %arg9[%dma_start3A_25, %dma_start3A_26] : memref<4x128xi32, #tpu.memory_space<vmem>> -> memref<1x128xi32, #tpu.memory_space<vmem>>
    %dma_start3A_28 = tpu.memref_squeeze %dma_start3A_27 : memref<1x128xi32, #tpu.memory_space<vmem>> -> memref<128xi32, #tpu.memory_space<vmem>>
    %dma_start3A_29 = arith.constant 0 : i32
    %dma_start3A_30 = arith.constant 0 : i32
    %dma_start3A_31 = tpu.memref_slice %arg5[%dma_start3A_29, %dma_start3A_30] : memref<100000x128xf32, #tpu.memory_space<hbm>> -> memref<100000x128xf32, #tpu.memory_space<hbm>>
    tpu.enqueue_indirect_dma source(%dma_start3A_31 : memref<100000x128xf32, #tpu.memory_space<hbm>>) target(%arg13 : memref<128x128xf32, #tpu.memory_space<vmem>>) offsets(%dma_start3A_28 : memref<128xi32, #tpu.memory_space<vmem>>) semaphore(%arg14 : memref<!tpu.dma_semaphore, #tpu.memory_space<semaphore_mem>>)
    %dma_wait3A = arith.constant 0 : i32
    %dma_wait3A_32 = arith.constant 0 : i32
    %dma_wait3A_33 = tpu.memref_slice %arg8[%dma_wait3A, %dma_wait3A_32] : memref<4x128xi32, #tpu.memory_space<vmem>> -> memref<1x128xi32, #tpu.memory_space<vmem>>
    %dma_wait3A_34 = tpu.memref_squeeze %dma_wait3A_33 : memref<1x128xi32, #tpu.memory_space<vmem>> -> memref<128xi32, #tpu.memory_space<vmem>>
    %dma_wait3A_35 = arith.constant 0 : i32
    %dma_wait3A_36 = arith.constant 0 : i32
    %dma_wait3A_37 = tpu.memref_slice %arg4[%dma_wait3A_35, %dma_wait3A_36] : memref<1000000x128xf32, #tpu.memory_space<hbm>> -> memref<1000000x128xf32, #tpu.memory_space<hbm>>
    tpu.wait_indirect_dma semaphore(%arg14 : memref<!tpu.dma_semaphore, #tpu.memory_space<semaphore_mem>>) src(%dma_wait3A_37 : memref<1000000x128xf32, #tpu.memory_space<hbm>>) dst(%arg10 : memref<128x128xf32, #tpu.memory_space<vmem>>)
    %dma_wait3A_38 = arith.constant 0 : i32
    %dma_wait3A_39 = arith.constant 0 : i32
    %dma_wait3A_40 = tpu.memref_slice %arg9[%dma_wait3A_38, %dma_wait3A_39] : memref<4x128xi32, #tpu.memory_space<vmem>> -> memref<1x128xi32, #tpu.memory_space<vmem>>
    %dma_wait3A_41 = tpu.memref_squeeze %dma_wait3A_40 : memref<1x128xi32, #tpu.memory_space<vmem>> -> memref<128xi32, #tpu.memory_space<vmem>>
    %dma_wait3A_42 = arith.constant 0 : i32
    %dma_wait3A_43 = arith.constant 0 : i32
    %dma_wait3A_44 = tpu.memref_slice %arg5[%dma_wait3A_42, %dma_wait3A_43] : memref<100000x128xf32, #tpu.memory_space<hbm>> -> memref<100000x128xf32, #tpu.memory_space<hbm>>
    tpu.wait_indirect_dma semaphore(%arg14 : memref<!tpu.dma_semaphore, #tpu.memory_space<semaphore_mem>>) src(%dma_wait3A_44 : memref<100000x128xf32, #tpu.memory_space<hbm>>) dst(%arg12 : memref<128x128xf32, #tpu.memory_space<vmem>>)
    %add3A_45 = arith.constant 0 : i32
    %add3A_46 = arith.addi %mul3A_2, %add3A_45 : i32
    "tpu.region"() ({
      %run_scoped3A = tpu.sem_alloc : memref<!tpu.dma_semaphore, #tpu.memory_space<semaphore_mem>>
      %dma_start3A_123 = arith.constant 0 : i32
      %dma_start3A_124 = tpu.memref_slice %arg6[%add3A_46, %dma_start3A_123] : memref<16384x128xf32, #tpu.memory_space<hbm>> -> memref<128x128xf32, #tpu.memory_space<hbm>>
      %dma_start3A_125 = arith.constant 0 : i32
      %dma_start3A_126 = tpu.memref_slice %arg6[%add3A_46, %dma_start3A_125] : memref<16384x128xf32, #tpu.memory_space<hbm>> -> memref<128x128xf32, #tpu.memory_space<hbm>>
      tpu.enqueue_dma source(%arg10 : memref<128x128xf32, #tpu.memory_space<vmem>>) target(%dma_start3A_126 : memref<128x128xf32, #tpu.memory_space<hbm>>) target_semaphore(%run_scoped3A : memref<!tpu.dma_semaphore, #tpu.memory_space<semaphore_mem>>)
      %dma_wait3A_127 = arith.constant 0 : i32
      %dma_wait3A_128 = tpu.memref_slice %arg6[%add3A_46, %dma_wait3A_127] : memref<16384x128xf32, #tpu.memory_space<hbm>> -> memref<128x128xf32, #tpu.memory_space<hbm>>
      %dma_wait3A_129 = arith.constant 0 : i32
      %dma_wait3A_130 = tpu.memref_slice %arg6[%add3A_46, %dma_wait3A_129] : memref<16384x128xf32, #tpu.memory_space<hbm>> -> memref<128x128xf32, #tpu.memory_space<hbm>>
      tpu.wait_dma2 semaphore(%run_scoped3A : memref<!tpu.dma_semaphore, #tpu.memory_space<semaphore_mem>>) src(%arg10 : memref<128x128xf32, #tpu.memory_space<vmem>>) dst(%dma_wait3A_130 : memref<128x128xf32, #tpu.memory_space<hbm>>)
      tpu.yield
    }) : () -> ()
    "tpu.region"() ({
      %run_scoped3A = tpu.sem_alloc : memref<!tpu.dma_semaphore, #tpu.memory_space<semaphore_mem>>
      %dma_start3A_123 = arith.constant 0 : i32
      %dma_start3A_124 = tpu.memref_slice %arg7[%add3A_46, %dma_start3A_123] : memref<16384x128xf32, #tpu.memory_space<hbm>> -> memref<128x128xf32, #tpu.memory_space<hbm>>
      %dma_start3A_125 = arith.constant 0 : i32
      %dma_start3A_126 = tpu.memref_slice %arg7[%add3A_46, %dma_start3A_125] : memref<16384x128xf32, #tpu.memory_space<hbm>> -> memref<128x128xf32, #tpu.memory_space<hbm>>
      tpu.enqueue_dma source(%arg12 : memref<128x128xf32, #tpu.memory_space<vmem>>) target(%dma_start3A_126 : memref<128x128xf32, #tpu.memory_space<hbm>>) target_semaphore(%run_scoped3A : memref<!tpu.dma_semaphore, #tpu.memory_space<semaphore_mem>>)
      %dma_wait3A_127 = arith.constant 0 : i32
      %dma_wait3A_128 = tpu.memref_slice %arg7[%add3A_46, %dma_wait3A_127] : memref<16384x128xf32, #tpu.memory_space<hbm>> -> memref<128x128xf32, #tpu.memory_space<hbm>>
      %dma_wait3A_129 = arith.constant 0 : i32
      %dma_wait3A_130 = tpu.memref_slice %arg7[%add3A_46, %dma_wait3A_129] : memref<16384x128xf32, #tpu.memory_space<hbm>> -> memref<128x128xf32, #tpu.memory_space<hbm>>
      tpu.wait_dma2 semaphore(%run_scoped3A : memref<!tpu.dma_semaphore, #tpu.memory_space<semaphore_mem>>) src(%arg12 : memref<128x128xf32, #tpu.memory_space<vmem>>) dst(%dma_wait3A_130 : memref<128x128xf32, #tpu.memory_space<hbm>>)
      tpu.yield
    }) : () -> ()
    %dma_start3A_47 = arith.constant 2 : i32
    %dma_start3A_48 = arith.constant 0 : i32
    %dma_start3A_49 = tpu.memref_slice %arg8[%dma_start3A_47, %dma_start3A_48] : memref<4x128xi32, #tpu.memory_space<vmem>> -> memref<1x128xi32, #tpu.memory_space<vmem>>
    %dma_start3A_50 = tpu.memref_squeeze %dma_start3A_49 : memref<1x128xi32, #tpu.memory_space<vmem>> -> memref<128xi32, #tpu.memory_space<vmem>>
    %dma_start3A_51 = arith.constant 0 : i32
    %dma_start3A_52 = arith.constant 0 : i32
    %dma_start3A_53 = tpu.memref_slice %arg4[%dma_start3A_51, %dma_start3A_52] : memref<1000000x128xf32, #tpu.memory_space<hbm>> -> memref<1000000x128xf32, #tpu.memory_space<hbm>>
    tpu.enqueue_indirect_dma source(%dma_start3A_53 : memref<1000000x128xf32, #tpu.memory_space<hbm>>) target(%arg10 : memref<128x128xf32, #tpu.memory_space<vmem>>) offsets(%dma_start3A_50 : memref<128xi32, #tpu.memory_space<vmem>>) semaphore(%arg14 : memref<!tpu.dma_semaphore, #tpu.memory_space<semaphore_mem>>)
    %dma_start3A_54 = arith.constant 2 : i32
    %dma_start3A_55 = arith.constant 0 : i32
    %dma_start3A_56 = tpu.memref_slice %arg9[%dma_start3A_54, %dma_start3A_55] : memref<4x128xi32, #tpu.memory_space<vmem>> -> memref<1x128xi32, #tpu.memory_space<vmem>>
    %dma_start3A_57 = tpu.memref_squeeze %dma_start3A_56 : memref<1x128xi32, #tpu.memory_space<vmem>> -> memref<128xi32, #tpu.memory_space<vmem>>
    %dma_start3A_58 = arith.constant 0 : i32
    %dma_start3A_59 = arith.constant 0 : i32
    %dma_start3A_60 = tpu.memref_slice %arg5[%dma_start3A_58, %dma_start3A_59] : memref<100000x128xf32, #tpu.memory_space<hbm>> -> memref<100000x128xf32, #tpu.memory_space<hbm>>
    tpu.enqueue_indirect_dma source(%dma_start3A_60 : memref<100000x128xf32, #tpu.memory_space<hbm>>) target(%arg12 : memref<128x128xf32, #tpu.memory_space<vmem>>) offsets(%dma_start3A_57 : memref<128xi32, #tpu.memory_space<vmem>>) semaphore(%arg14 : memref<!tpu.dma_semaphore, #tpu.memory_space<semaphore_mem>>)
    %dma_wait3A_61 = arith.constant 1 : i32
    %dma_wait3A_62 = arith.constant 0 : i32
    %dma_wait3A_63 = tpu.memref_slice %arg8[%dma_wait3A_61, %dma_wait3A_62] : memref<4x128xi32, #tpu.memory_space<vmem>> -> memref<1x128xi32, #tpu.memory_space<vmem>>
    %dma_wait3A_64 = tpu.memref_squeeze %dma_wait3A_63 : memref<1x128xi32, #tpu.memory_space<vmem>> -> memref<128xi32, #tpu.memory_space<vmem>>
    %dma_wait3A_65 = arith.constant 0 : i32
    %dma_wait3A_66 = arith.constant 0 : i32
    %dma_wait3A_67 = tpu.memref_slice %arg4[%dma_wait3A_65, %dma_wait3A_66] : memref<1000000x128xf32, #tpu.memory_space<hbm>> -> memref<1000000x128xf32, #tpu.memory_space<hbm>>
    tpu.wait_indirect_dma semaphore(%arg14 : memref<!tpu.dma_semaphore, #tpu.memory_space<semaphore_mem>>) src(%dma_wait3A_67 : memref<1000000x128xf32, #tpu.memory_space<hbm>>) dst(%arg11 : memref<128x128xf32, #tpu.memory_space<vmem>>)
    %dma_wait3A_68 = arith.constant 1 : i32
    %dma_wait3A_69 = arith.constant 0 : i32
    %dma_wait3A_70 = tpu.memref_slice %arg9[%dma_wait3A_68, %dma_wait3A_69] : memref<4x128xi32, #tpu.memory_space<vmem>> -> memref<1x128xi32, #tpu.memory_space<vmem>>
    %dma_wait3A_71 = tpu.memref_squeeze %dma_wait3A_70 : memref<1x128xi32, #tpu.memory_space<vmem>> -> memref<128xi32, #tpu.memory_space<vmem>>
    %dma_wait3A_72 = arith.constant 0 : i32
    %dma_wait3A_73 = arith.constant 0 : i32
    %dma_wait3A_74 = tpu.memref_slice %arg5[%dma_wait3A_72, %dma_wait3A_73] : memref<100000x128xf32, #tpu.memory_space<hbm>> -> memref<100000x128xf32, #tpu.memory_space<hbm>>
    tpu.wait_indirect_dma semaphore(%arg14 : memref<!tpu.dma_semaphore, #tpu.memory_space<semaphore_mem>>) src(%dma_wait3A_74 : memref<100000x128xf32, #tpu.memory_space<hbm>>) dst(%arg13 : memref<128x128xf32, #tpu.memory_space<vmem>>)
    %add3A_75 = arith.constant 128 : i32
    %add3A_76 = arith.addi %mul3A_2, %add3A_75 : i32
    "tpu.region"() ({
      %run_scoped3A = tpu.sem_alloc : memref<!tpu.dma_semaphore, #tpu.memory_space<semaphore_mem>>
      %dma_start3A_123 = arith.constant 0 : i32
      %dma_start3A_124 = tpu.memref_slice %arg6[%add3A_76, %dma_start3A_123] : memref<16384x128xf32, #tpu.memory_space<hbm>> -> memref<128x128xf32, #tpu.memory_space<hbm>>
      %dma_start3A_125 = arith.constant 0 : i32
      %dma_start3A_126 = tpu.memref_slice %arg6[%add3A_76, %dma_start3A_125] : memref<16384x128xf32, #tpu.memory_space<hbm>> -> memref<128x128xf32, #tpu.memory_space<hbm>>
      tpu.enqueue_dma source(%arg11 : memref<128x128xf32, #tpu.memory_space<vmem>>) target(%dma_start3A_126 : memref<128x128xf32, #tpu.memory_space<hbm>>) target_semaphore(%run_scoped3A : memref<!tpu.dma_semaphore, #tpu.memory_space<semaphore_mem>>)
      %dma_wait3A_127 = arith.constant 0 : i32
      %dma_wait3A_128 = tpu.memref_slice %arg6[%add3A_76, %dma_wait3A_127] : memref<16384x128xf32, #tpu.memory_space<hbm>> -> memref<128x128xf32, #tpu.memory_space<hbm>>
      %dma_wait3A_129 = arith.constant 0 : i32
      %dma_wait3A_130 = tpu.memref_slice %arg6[%add3A_76, %dma_wait3A_129] : memref<16384x128xf32, #tpu.memory_space<hbm>> -> memref<128x128xf32, #tpu.memory_space<hbm>>
      tpu.wait_dma2 semaphore(%run_scoped3A : memref<!tpu.dma_semaphore, #tpu.memory_space<semaphore_mem>>) src(%arg11 : memref<128x128xf32, #tpu.memory_space<vmem>>) dst(%dma_wait3A_130 : memref<128x128xf32, #tpu.memory_space<hbm>>)
      tpu.yield
    }) : () -> ()
    "tpu.region"() ({
      %run_scoped3A = tpu.sem_alloc : memref<!tpu.dma_semaphore, #tpu.memory_space<semaphore_mem>>
      %dma_start3A_123 = arith.constant 0 : i32
      %dma_start3A_124 = tpu.memref_slice %arg7[%add3A_76, %dma_start3A_123] : memref<16384x128xf32, #tpu.memory_space<hbm>> -> memref<128x128xf32, #tpu.memory_space<hbm>>
      %dma_start3A_125 = arith.constant 0 : i32
      %dma_start3A_126 = tpu.memref_slice %arg7[%add3A_76, %dma_start3A_125] : memref<16384x128xf32, #tpu.memory_space<hbm>> -> memref<128x128xf32, #tpu.memory_space<hbm>>
      tpu.enqueue_dma source(%arg13 : memref<128x128xf32, #tpu.memory_space<vmem>>) target(%dma_start3A_126 : memref<128x128xf32, #tpu.memory_space<hbm>>) target_semaphore(%run_scoped3A : memref<!tpu.dma_semaphore, #tpu.memory_space<semaphore_mem>>)
      %dma_wait3A_127 = arith.constant 0 : i32
      %dma_wait3A_128 = tpu.memref_slice %arg7[%add3A_76, %dma_wait3A_127] : memref<16384x128xf32, #tpu.memory_space<hbm>> -> memref<128x128xf32, #tpu.memory_space<hbm>>
      %dma_wait3A_129 = arith.constant 0 : i32
      %dma_wait3A_130 = tpu.memref_slice %arg7[%add3A_76, %dma_wait3A_129] : memref<16384x128xf32, #tpu.memory_space<hbm>> -> memref<128x128xf32, #tpu.memory_space<hbm>>
      tpu.wait_dma2 semaphore(%run_scoped3A : memref<!tpu.dma_semaphore, #tpu.memory_space<semaphore_mem>>) src(%arg13 : memref<128x128xf32, #tpu.memory_space<vmem>>) dst(%dma_wait3A_130 : memref<128x128xf32, #tpu.memory_space<hbm>>)
      tpu.yield
    }) : () -> ()
    %dma_start3A_77 = arith.constant 3 : i32
    %dma_start3A_78 = arith.constant 0 : i32
    %dma_start3A_79 = tpu.memref_slice %arg8[%dma_start3A_77, %dma_start3A_78] : memref<4x128xi32, #tpu.memory_space<vmem>> -> memref<1x128xi32, #tpu.memory_space<vmem>>
    %dma_start3A_80 = tpu.memref_squeeze %dma_start3A_79 : memref<1x128xi32, #tpu.memory_space<vmem>> -> memref<128xi32, #tpu.memory_space<vmem>>
    %dma_start3A_81 = arith.constant 0 : i32
    %dma_start3A_82 = arith.constant 0 : i32
    %dma_start3A_83 = tpu.memref_slice %arg4[%dma_start3A_81, %dma_start3A_82] : memref<1000000x128xf32, #tpu.memory_space<hbm>> -> memref<1000000x128xf32, #tpu.memory_space<hbm>>
    tpu.enqueue_indirect_dma source(%dma_start3A_83 : memref<1000000x128xf32, #tpu.memory_space<hbm>>) target(%arg11 : memref<128x128xf32, #tpu.memory_space<vmem>>) offsets(%dma_start3A_80 : memref<128xi32, #tpu.memory_space<vmem>>) semaphore(%arg14 : memref<!tpu.dma_semaphore, #tpu.memory_space<semaphore_mem>>)
    %dma_start3A_84 = arith.constant 3 : i32
    %dma_start3A_85 = arith.constant 0 : i32
    %dma_start3A_86 = tpu.memref_slice %arg9[%dma_start3A_84, %dma_start3A_85] : memref<4x128xi32, #tpu.memory_space<vmem>> -> memref<1x128xi32, #tpu.memory_space<vmem>>
    %dma_start3A_87 = tpu.memref_squeeze %dma_start3A_86 : memref<1x128xi32, #tpu.memory_space<vmem>> -> memref<128xi32, #tpu.memory_space<vmem>>
    %dma_start3A_88 = arith.constant 0 : i32
    %dma_start3A_89 = arith.constant 0 : i32
    %dma_start3A_90 = tpu.memref_slice %arg5[%dma_start3A_88, %dma_start3A_89] : memref<100000x128xf32, #tpu.memory_space<hbm>> -> memref<100000x128xf32, #tpu.memory_space<hbm>>
    tpu.enqueue_indirect_dma source(%dma_start3A_90 : memref<100000x128xf32, #tpu.memory_space<hbm>>) target(%arg13 : memref<128x128xf32, #tpu.memory_space<vmem>>) offsets(%dma_start3A_87 : memref<128xi32, #tpu.memory_space<vmem>>) semaphore(%arg14 : memref<!tpu.dma_semaphore, #tpu.memory_space<semaphore_mem>>)
    %dma_wait3A_91 = arith.constant 2 : i32
    %dma_wait3A_92 = arith.constant 0 : i32
    %dma_wait3A_93 = tpu.memref_slice %arg8[%dma_wait3A_91, %dma_wait3A_92] : memref<4x128xi32, #tpu.memory_space<vmem>> -> memref<1x128xi32, #tpu.memory_space<vmem>>
    %dma_wait3A_94 = tpu.memref_squeeze %dma_wait3A_93 : memref<1x128xi32, #tpu.memory_space<vmem>> -> memref<128xi32, #tpu.memory_space<vmem>>
    %dma_wait3A_95 = arith.constant 0 : i32
    %dma_wait3A_96 = arith.constant 0 : i32
    %dma_wait3A_97 = tpu.memref_slice %arg4[%dma_wait3A_95, %dma_wait3A_96] : memref<1000000x128xf32, #tpu.memory_space<hbm>> -> memref<1000000x128xf32, #tpu.memory_space<hbm>>
    tpu.wait_indirect_dma semaphore(%arg14 : memref<!tpu.dma_semaphore, #tpu.memory_space<semaphore_mem>>) src(%dma_wait3A_97 : memref<1000000x128xf32, #tpu.memory_space<hbm>>) dst(%arg10 : memref<128x128xf32, #tpu.memory_space<vmem>>)
    %dma_wait3A_98 = arith.constant 2 : i32
    %dma_wait3A_99 = arith.constant 0 : i32
    %dma_wait3A_100 = tpu.memref_slice %arg9[%dma_wait3A_98, %dma_wait3A_99] : memref<4x128xi32, #tpu.memory_space<vmem>> -> memref<1x128xi32, #tpu.memory_space<vmem>>
    %dma_wait3A_101 = tpu.memref_squeeze %dma_wait3A_100 : memref<1x128xi32, #tpu.memory_space<vmem>> -> memref<128xi32, #tpu.memory_space<vmem>>
    %dma_wait3A_102 = arith.constant 0 : i32
    %dma_wait3A_103 = arith.constant 0 : i32
    %dma_wait3A_104 = tpu.memref_slice %arg5[%dma_wait3A_102, %dma_wait3A_103] : memref<100000x128xf32, #tpu.memory_space<hbm>> -> memref<100000x128xf32, #tpu.memory_space<hbm>>
    tpu.wait_indirect_dma semaphore(%arg14 : memref<!tpu.dma_semaphore, #tpu.memory_space<semaphore_mem>>) src(%dma_wait3A_104 : memref<100000x128xf32, #tpu.memory_space<hbm>>) dst(%arg12 : memref<128x128xf32, #tpu.memory_space<vmem>>)
    %add3A_105 = arith.constant 256 : i32
    %add3A_106 = arith.addi %mul3A_2, %add3A_105 : i32
    "tpu.region"() ({
      %run_scoped3A = tpu.sem_alloc : memref<!tpu.dma_semaphore, #tpu.memory_space<semaphore_mem>>
      %dma_start3A_123 = arith.constant 0 : i32
      %dma_start3A_124 = tpu.memref_slice %arg6[%add3A_106, %dma_start3A_123] : memref<16384x128xf32, #tpu.memory_space<hbm>> -> memref<128x128xf32, #tpu.memory_space<hbm>>
      %dma_start3A_125 = arith.constant 0 : i32
      %dma_start3A_126 = tpu.memref_slice %arg6[%add3A_106, %dma_start3A_125] : memref<16384x128xf32, #tpu.memory_space<hbm>> -> memref<128x128xf32, #tpu.memory_space<hbm>>
      tpu.enqueue_dma source(%arg10 : memref<128x128xf32, #tpu.memory_space<vmem>>) target(%dma_start3A_126 : memref<128x128xf32, #tpu.memory_space<hbm>>) target_semaphore(%run_scoped3A : memref<!tpu.dma_semaphore, #tpu.memory_space<semaphore_mem>>)
      %dma_wait3A_127 = arith.constant 0 : i32
      %dma_wait3A_128 = tpu.memref_slice %arg6[%add3A_106, %dma_wait3A_127] : memref<16384x128xf32, #tpu.memory_space<hbm>> -> memref<128x128xf32, #tpu.memory_space<hbm>>
      %dma_wait3A_129 = arith.constant 0 : i32
      %dma_wait3A_130 = tpu.memref_slice %arg6[%add3A_106, %dma_wait3A_129] : memref<16384x128xf32, #tpu.memory_space<hbm>> -> memref<128x128xf32, #tpu.memory_space<hbm>>
      tpu.wait_dma2 semaphore(%run_scoped3A : memref<!tpu.dma_semaphore, #tpu.memory_space<semaphore_mem>>) src(%arg10 : memref<128x128xf32, #tpu.memory_space<vmem>>) dst(%dma_wait3A_130 : memref<128x128xf32, #tpu.memory_space<hbm>>)
      tpu.yield
    }) : () -> ()
    "tpu.region"() ({
      %run_scoped3A = tpu.sem_alloc : memref<!tpu.dma_semaphore, #tpu.memory_space<semaphore_mem>>
      %dma_start3A_123 = arith.constant 0 : i32
      %dma_start3A_124 = tpu.memref_slice %arg7[%add3A_106, %dma_start3A_123] : memref<16384x128xf32, #tpu.memory_space<hbm>> -> memref<128x128xf32, #tpu.memory_space<hbm>>
      %dma_start3A_125 = arith.constant 0 : i32
      %dma_start3A_126 = tpu.memref_slice %arg7[%add3A_106, %dma_start3A_125] : memref<16384x128xf32, #tpu.memory_space<hbm>> -> memref<128x128xf32, #tpu.memory_space<hbm>>
      tpu.enqueue_dma source(%arg12 : memref<128x128xf32, #tpu.memory_space<vmem>>) target(%dma_start3A_126 : memref<128x128xf32, #tpu.memory_space<hbm>>) target_semaphore(%run_scoped3A : memref<!tpu.dma_semaphore, #tpu.memory_space<semaphore_mem>>)
      %dma_wait3A_127 = arith.constant 0 : i32
      %dma_wait3A_128 = tpu.memref_slice %arg7[%add3A_106, %dma_wait3A_127] : memref<16384x128xf32, #tpu.memory_space<hbm>> -> memref<128x128xf32, #tpu.memory_space<hbm>>
      %dma_wait3A_129 = arith.constant 0 : i32
      %dma_wait3A_130 = tpu.memref_slice %arg7[%add3A_106, %dma_wait3A_129] : memref<16384x128xf32, #tpu.memory_space<hbm>> -> memref<128x128xf32, #tpu.memory_space<hbm>>
      tpu.wait_dma2 semaphore(%run_scoped3A : memref<!tpu.dma_semaphore, #tpu.memory_space<semaphore_mem>>) src(%arg12 : memref<128x128xf32, #tpu.memory_space<vmem>>) dst(%dma_wait3A_130 : memref<128x128xf32, #tpu.memory_space<hbm>>)
      tpu.yield
    }) : () -> ()
    %dma_wait3A_107 = arith.constant 3 : i32
    %dma_wait3A_108 = arith.constant 0 : i32
    %dma_wait3A_109 = tpu.memref_slice %arg8[%dma_wait3A_107, %dma_wait3A_108] : memref<4x128xi32, #tpu.memory_space<vmem>> -> memref<1x128xi32, #tpu.memory_space<vmem>>
    %dma_wait3A_110 = tpu.memref_squeeze %dma_wait3A_109 : memref<1x128xi32, #tpu.memory_space<vmem>> -> memref<128xi32, #tpu.memory_space<vmem>>
    %dma_wait3A_111 = arith.constant 0 : i32
    %dma_wait3A_112 = arith.constant 0 : i32
    %dma_wait3A_113 = tpu.memref_slice %arg4[%dma_wait3A_111, %dma_wait3A_112] : memref<1000000x128xf32, #tpu.memory_space<hbm>> -> memref<1000000x128xf32, #tpu.memory_space<hbm>>
    tpu.wait_indirect_dma semaphore(%arg14 : memref<!tpu.dma_semaphore, #tpu.memory_space<semaphore_mem>>) src(%dma_wait3A_113 : memref<1000000x128xf32, #tpu.memory_space<hbm>>) dst(%arg11 : memref<128x128xf32, #tpu.memory_space<vmem>>)
    %dma_wait3A_114 = arith.constant 3 : i32
    %dma_wait3A_115 = arith.constant 0 : i32
    %dma_wait3A_116 = tpu.memref_slice %arg9[%dma_wait3A_114, %dma_wait3A_115] : memref<4x128xi32, #tpu.memory_space<vmem>> -> memref<1x128xi32, #tpu.memory_space<vmem>>
    %dma_wait3A_117 = tpu.memref_squeeze %dma_wait3A_116 : memref<1x128xi32, #tpu.memory_space<vmem>> -> memref<128xi32, #tpu.memory_space<vmem>>
    %dma_wait3A_118 = arith.constant 0 : i32
    %dma_wait3A_119 = arith.constant 0 : i32
    %dma_wait3A_120 = tpu.memref_slice %arg5[%dma_wait3A_118, %dma_wait3A_119] : memref<100000x128xf32, #tpu.memory_space<hbm>> -> memref<100000x128xf32, #tpu.memory_space<hbm>>
    tpu.wait_indirect_dma semaphore(%arg14 : memref<!tpu.dma_semaphore, #tpu.memory_space<semaphore_mem>>) src(%dma_wait3A_120 : memref<100000x128xf32, #tpu.memory_space<hbm>>) dst(%arg13 : memref<128x128xf32, #tpu.memory_space<vmem>>)
    %add3A_121 = arith.constant 384 : i32
    %add3A_122 = arith.addi %mul3A_2, %add3A_121 : i32
    "tpu.region"() ({
      %run_scoped3A = tpu.sem_alloc : memref<!tpu.dma_semaphore, #tpu.memory_space<semaphore_mem>>
      %dma_start3A_123 = arith.constant 0 : i32
      %dma_start3A_124 = tpu.memref_slice %arg6[%add3A_122, %dma_start3A_123] : memref<16384x128xf32, #tpu.memory_space<hbm>> -> memref<128x128xf32, #tpu.memory_space<hbm>>
      %dma_start3A_125 = arith.constant 0 : i32
      %dma_start3A_126 = tpu.memref_slice %arg6[%add3A_122, %dma_start3A_125] : memref<16384x128xf32, #tpu.memory_space<hbm>> -> memref<128x128xf32, #tpu.memory_space<hbm>>
      tpu.enqueue_dma source(%arg11 : memref<128x128xf32, #tpu.memory_space<vmem>>) target(%dma_start3A_126 : memref<128x128xf32, #tpu.memory_space<hbm>>) target_semaphore(%run_scoped3A : memref<!tpu.dma_semaphore, #tpu.memory_space<semaphore_mem>>)
      %dma_wait3A_127 = arith.constant 0 : i32
      %dma_wait3A_128 = tpu.memref_slice %arg6[%add3A_122, %dma_wait3A_127] : memref<16384x128xf32, #tpu.memory_space<hbm>> -> memref<128x128xf32, #tpu.memory_space<hbm>>
      %dma_wait3A_129 = arith.constant 0 : i32
      %dma_wait3A_130 = tpu.memref_slice %arg6[%add3A_122, %dma_wait3A_129] : memref<16384x128xf32, #tpu.memory_space<hbm>> -> memref<128x128xf32, #tpu.memory_space<hbm>>
      tpu.wait_dma2 semaphore(%run_scoped3A : memref<!tpu.dma_semaphore, #tpu.memory_space<semaphore_mem>>) src(%arg11 : memref<128x128xf32, #tpu.memory_space<vmem>>) dst(%dma_wait3A_130 : memref<128x128xf32, #tpu.memory_space<hbm>>)
      tpu.yield
    }) : () -> ()
    "tpu.region"() ({
      %run_scoped3A = tpu.sem_alloc : memref<!tpu.dma_semaphore, #tpu.memory_space<semaphore_mem>>
      %dma_start3A_123 = arith.constant 0 : i32
      %dma_start3A_124 = tpu.memref_slice %arg7[%add3A_122, %dma_start3A_123] : memref<16384x128xf32, #tpu.memory_space<hbm>> -> memref<128x128xf32, #tpu.memory_space<hbm>>
      %dma_start3A_125 = arith.constant 0 : i32
      %dma_start3A_126 = tpu.memref_slice %arg7[%add3A_122, %dma_start3A_125] : memref<16384x128xf32, #tpu.memory_space<hbm>> -> memref<128x128xf32, #tpu.memory_space<hbm>>
      tpu.enqueue_dma source(%arg13 : memref<128x128xf32, #tpu.memory_space<vmem>>) target(%dma_start3A_126 : memref<128x128xf32, #tpu.memory_space<hbm>>) target_semaphore(%run_scoped3A : memref<!tpu.dma_semaphore, #tpu.memory_space<semaphore_mem>>)
      %dma_wait3A_127 = arith.constant 0 : i32
      %dma_wait3A_128 = tpu.memref_slice %arg7[%add3A_122, %dma_wait3A_127] : memref<16384x128xf32, #tpu.memory_space<hbm>> -> memref<128x128xf32, #tpu.memory_space<hbm>>
      %dma_wait3A_129 = arith.constant 0 : i32
      %dma_wait3A_130 = tpu.memref_slice %arg7[%add3A_122, %dma_wait3A_129] : memref<16384x128xf32, #tpu.memory_space<hbm>> -> memref<128x128xf32, #tpu.memory_space<hbm>>
      tpu.wait_dma2 semaphore(%run_scoped3A : memref<!tpu.dma_semaphore, #tpu.memory_space<semaphore_mem>>) src(%arg13 : memref<128x128xf32, #tpu.memory_space<vmem>>) dst(%dma_wait3A_130 : memref<128x128xf32, #tpu.memory_space<hbm>>)
      tpu.yield
    }) : () -> ()
    return
  }
}

module attributes {stable_mosaic.version = 14 : i64} {
  func.func @_tc_dense_body(%arg0: i32, %arg1: memref<4096x128xf32, #tpu.memory_space<vmem>>, %arg2: memref<4096x128xf32, #tpu.memory_space<vmem>>, %arg3: memref<1x32xf32, #tpu.memory_space<vmem>>, %arg4: memref<1x1xf32, #tpu.memory_space<vmem>>, %arg5: memref<32x64xf32, #tpu.memory_space<vmem>>, %arg6: memref<32x64xf32, #tpu.memory_space<vmem>>, %arg7: memref<1x64xf32, #tpu.memory_space<vmem>>, %arg8: memref<64x32xf32, #tpu.memory_space<vmem>>, %arg9: memref<1x32xf32, #tpu.memory_space<vmem>>, %arg10: memref<32x16xf32, #tpu.memory_space<vmem>>, %arg11: memref<1x16xf32, #tpu.memory_space<vmem>>, %arg12: memref<1x16xf32, #tpu.memory_space<vmem>>, %arg13: memref<1x1xf32, #tpu.memory_space<vmem>>, %arg14: memref<4096x1xf32, #tpu.memory_space<vmem>>) attributes {dimension_semantics = [#tpu.dimension_semantics<arbitrary>], iteration_bounds = array<i64: 4>, scalar_prefetch = 0 : i64, scratch_operands = 0 : i64, tpu.core_type = #tpu.core_type<tc>, window_params = [{transform_indices = @transform_0, window_bounds = array<i64: 4096, 128>}, {transform_indices = @transform_1, window_bounds = array<i64: 4096, 128>}, {pipeline_mode = #tpu.pipeline_mode<synchronous>, transform_indices = @transform_2, window_bounds = array<i64: 1, 32>}, {pipeline_mode = #tpu.pipeline_mode<synchronous>, transform_indices = @transform_3, window_bounds = array<i64: 1, 1>}, {pipeline_mode = #tpu.pipeline_mode<synchronous>, transform_indices = @transform_4, window_bounds = array<i64: 32, 64>}, {pipeline_mode = #tpu.pipeline_mode<synchronous>, transform_indices = @transform_5, window_bounds = array<i64: 32, 64>}, {pipeline_mode = #tpu.pipeline_mode<synchronous>, transform_indices = @transform_6, window_bounds = array<i64: 1, 64>}, {pipeline_mode = #tpu.pipeline_mode<synchronous>, transform_indices = @transform_7, window_bounds = array<i64: 64, 32>}, {pipeline_mode = #tpu.pipeline_mode<synchronous>, transform_indices = @transform_8, window_bounds = array<i64: 1, 32>}, {pipeline_mode = #tpu.pipeline_mode<synchronous>, transform_indices = @transform_9, window_bounds = array<i64: 32, 16>}, {pipeline_mode = #tpu.pipeline_mode<synchronous>, transform_indices = @transform_10, window_bounds = array<i64: 1, 16>}, {pipeline_mode = #tpu.pipeline_mode<synchronous>, transform_indices = @transform_11, window_bounds = array<i64: 1, 16>}, {pipeline_mode = #tpu.pipeline_mode<synchronous>, transform_indices = @transform_12, window_bounds = array<i64: 1, 1>}, {transform_indices = @transform_13, window_bounds = array<i64: 4096, 1>}]} {
    %get3A = arith.constant 0 : index
    %get3A_0 = arith.constant 0 : index
    %get3A_1 = vector.load %arg1[%get3A, %get3A_0] : memref<4096x128xf32, #tpu.memory_space<vmem>>, vector<4096x128xf32>
    %get3A_2 = arith.constant 0 : index
    %get3A_3 = arith.constant 0 : index
    %get3A_4 = vector.load %arg2[%get3A_2, %get3A_3] : memref<4096x128xf32, #tpu.memory_space<vmem>>, vector<4096x128xf32>
    %slice3A = vector.extract_strided_slice %get3A_1 {offsets = [0, 0], sizes = [4096, 32], strides = [1, 1]} : vector<4096x128xf32> to vector<4096x32xf32>
    %slice3A_5 = vector.extract_strided_slice %get3A_1 {offsets = [0, 32], sizes = [4096, 32], strides = [1, 1]} : vector<4096x128xf32> to vector<4096x32xf32>
    %slice3A_6 = vector.extract_strided_slice %get3A_4 {offsets = [0, 0], sizes = [4096, 32], strides = [1, 1]} : vector<4096x128xf32> to vector<4096x32xf32>
    %slice3A_7 = vector.extract_strided_slice %get3A_4 {offsets = [0, 32], sizes = [4096, 32], strides = [1, 1]} : vector<4096x128xf32> to vector<4096x32xf32>
    %mul3A = arith.mulf %slice3A, %slice3A_6 : vector<4096x32xf32>
    %get3A_8 = arith.constant 0 : index
    %get3A_9 = arith.constant 0 : index
    %get3A_10 = vector.load %arg3[%get3A_8, %get3A_9] : memref<1x32xf32, #tpu.memory_space<vmem>>, vector<1x32xf32>
    %mul3A_11 = vector.broadcast %get3A_10 : vector<1x32xf32> to vector<4096x32xf32>
    %mul3A_12 = arith.mulf %mul3A, %mul3A_11 : vector<4096x32xf32>
    %reduce_sum3A = arith.constant dense<0.000000e+00> : vector<4096xf32>
    %reduce_sum3A_13 = vector.multi_reduction <add>, %mul3A_12, %reduce_sum3A [1] : vector<4096x32xf32> to vector<4096xf32>
    %broadcast_in_dim3A = vector.shape_cast %reduce_sum3A_13 : vector<4096xf32> to vector<4096x1xf32>
    %get3A_14 = arith.constant 0 : index
    %get3A_15 = arith.constant 0 : index
    %get3A_16 = vector.load %arg4[%get3A_14, %get3A_15] : memref<1x1xf32, #tpu.memory_space<vmem>>, vector<1x1xf32>
    %get3A_17 = vector.extract %get3A_16[0, 0] : f32 from vector<1x1xf32>
    %add3A = vector.broadcast %get3A_17 : f32 to vector<4096x1xf32>
    %add3A_18 = arith.addf %broadcast_in_dim3A, %add3A : vector<4096x1xf32>
    %get3A_19 = arith.constant 0 : index
    %get3A_20 = arith.constant 0 : index
    %get3A_21 = vector.load %arg5[%get3A_19, %get3A_20] : memref<32x64xf32, #tpu.memory_space<vmem>>, vector<32x64xf32>
    %dot_general3A = arith.constant dense<0.000000e+00> : vector<4096x64xf32>
    %dot_general3A_22 = tpu.matmul %slice3A_5, %get3A_21, %dot_general3A {dimension_numbers = #tpu.dot_dimension_numbers<[1], [0], [0], [1], [0, 0, 1, 1], [], []>, transpose_lhs_hint = false} : vector<4096x32xf32>, vector<32x64xf32>, vector<4096x64xf32> -> vector<4096x64xf32>
    %get3A_23 = arith.constant 0 : index
    %get3A_24 = arith.constant 0 : index
    %get3A_25 = vector.load %arg6[%get3A_23, %get3A_24] : memref<32x64xf32, #tpu.memory_space<vmem>>, vector<32x64xf32>
    %dot_general3A_26 = arith.constant dense<0.000000e+00> : vector<4096x64xf32>
    %dot_general3A_27 = tpu.matmul %slice3A_7, %get3A_25, %dot_general3A_26 {dimension_numbers = #tpu.dot_dimension_numbers<[1], [0], [0], [1], [0, 0, 1, 1], [], []>, transpose_lhs_hint = false} : vector<4096x32xf32>, vector<32x64xf32>, vector<4096x64xf32> -> vector<4096x64xf32>
    %add3A_28 = arith.addf %dot_general3A_22, %dot_general3A_27 : vector<4096x64xf32>
    %get3A_29 = arith.constant 0 : index
    %get3A_30 = arith.constant 0 : index
    %get3A_31 = vector.load %arg7[%get3A_29, %get3A_30] : memref<1x64xf32, #tpu.memory_space<vmem>>, vector<1x64xf32>
    %add3A_32 = vector.broadcast %get3A_31 : vector<1x64xf32> to vector<4096x64xf32>
    %add3A_33 = arith.addf %add3A_28, %add3A_32 : vector<4096x64xf32>
    %max3A = arith.constant 0.000000e+00 : f32
    %max3A_34 = vector.broadcast %max3A : f32 to vector<4096x64xf32>
    %max3A_35 = arith.maximumf %add3A_33, %max3A_34 : vector<4096x64xf32>
    %get3A_36 = arith.constant 0 : index
    %get3A_37 = arith.constant 0 : index
    %get3A_38 = vector.load %arg8[%get3A_36, %get3A_37] : memref<64x32xf32, #tpu.memory_space<vmem>>, vector<64x32xf32>
    %dot_general3A_39 = arith.constant dense<0.000000e+00> : vector<4096x32xf32>
    %dot_general3A_40 = tpu.matmul %max3A_35, %get3A_38, %dot_general3A_39 {dimension_numbers = #tpu.dot_dimension_numbers<[1], [0], [0], [1], [0, 0, 1, 1], [], []>, transpose_lhs_hint = false} : vector<4096x64xf32>, vector<64x32xf32>, vector<4096x32xf32> -> vector<4096x32xf32>
    %get3A_41 = arith.constant 0 : index
    %get3A_42 = arith.constant 0 : index
    %get3A_43 = vector.load %arg9[%get3A_41, %get3A_42] : memref<1x32xf32, #tpu.memory_space<vmem>>, vector<1x32xf32>
    %add3A_44 = vector.broadcast %get3A_43 : vector<1x32xf32> to vector<4096x32xf32>
    %add3A_45 = arith.addf %dot_general3A_40, %add3A_44 : vector<4096x32xf32>
    %max3A_46 = arith.constant 0.000000e+00 : f32
    %max3A_47 = vector.broadcast %max3A_46 : f32 to vector<4096x32xf32>
    %max3A_48 = arith.maximumf %add3A_45, %max3A_47 : vector<4096x32xf32>
    %get3A_49 = arith.constant 0 : index
    %get3A_50 = arith.constant 0 : index
    %get3A_51 = vector.load %arg10[%get3A_49, %get3A_50] : memref<32x16xf32, #tpu.memory_space<vmem>>, vector<32x16xf32>
    %dot_general3A_52 = arith.constant dense<0.000000e+00> : vector<4096x16xf32>
    %dot_general3A_53 = tpu.matmul %max3A_48, %get3A_51, %dot_general3A_52 {dimension_numbers = #tpu.dot_dimension_numbers<[1], [0], [0], [1], [0, 0, 1, 1], [], []>, transpose_lhs_hint = false} : vector<4096x32xf32>, vector<32x16xf32>, vector<4096x16xf32> -> vector<4096x16xf32>
    %get3A_54 = arith.constant 0 : index
    %get3A_55 = arith.constant 0 : index
    %get3A_56 = vector.load %arg11[%get3A_54, %get3A_55] : memref<1x16xf32, #tpu.memory_space<vmem>>, vector<1x16xf32>
    %add3A_57 = vector.broadcast %get3A_56 : vector<1x16xf32> to vector<4096x16xf32>
    %add3A_58 = arith.addf %dot_general3A_53, %add3A_57 : vector<4096x16xf32>
    %max3A_59 = arith.constant 0.000000e+00 : f32
    %max3A_60 = vector.broadcast %max3A_59 : f32 to vector<4096x16xf32>
    %max3A_61 = arith.maximumf %add3A_58, %max3A_60 : vector<4096x16xf32>
    %get3A_62 = arith.constant 0 : index
    %get3A_63 = arith.constant 0 : index
    %get3A_64 = vector.load %arg12[%get3A_62, %get3A_63] : memref<1x16xf32, #tpu.memory_space<vmem>>, vector<1x16xf32>
    %mul3A_65 = vector.broadcast %get3A_64 : vector<1x16xf32> to vector<4096x16xf32>
    %mul3A_66 = arith.mulf %max3A_61, %mul3A_65 : vector<4096x16xf32>
    %reduce_sum3A_67 = arith.constant dense<0.000000e+00> : vector<4096xf32>
    %reduce_sum3A_68 = vector.multi_reduction <add>, %mul3A_66, %reduce_sum3A_67 [1] : vector<4096x16xf32> to vector<4096xf32>
    %broadcast_in_dim3A_69 = vector.shape_cast %reduce_sum3A_68 : vector<4096xf32> to vector<4096x1xf32>
    %get3A_70 = arith.constant 0 : index
    %get3A_71 = arith.constant 0 : index
    %get3A_72 = vector.load %arg13[%get3A_70, %get3A_71] : memref<1x1xf32, #tpu.memory_space<vmem>>, vector<1x1xf32>
    %get3A_73 = vector.extract %get3A_72[0, 0] : f32 from vector<1x1xf32>
    %add3A_74 = vector.broadcast %get3A_73 : f32 to vector<4096x1xf32>
    %add3A_75 = arith.addf %broadcast_in_dim3A_69, %add3A_74 : vector<4096x1xf32>
    %logistic3A = arith.negf %add3A_18 : vector<4096x1xf32>
    %logistic3A_76 = math.exp %logistic3A : vector<4096x1xf32>
    %logistic3A_77 = arith.constant 1.000000e+00 : f32
    %logistic3A_78 = vector.broadcast %logistic3A_77 : f32 to vector<4096x1xf32>
    %logistic3A_79 = arith.addf %logistic3A_78, %logistic3A_76 : vector<4096x1xf32>
    %logistic3A_80 = arith.divf %logistic3A_78, %logistic3A_79 : vector<4096x1xf32>
    %logistic3A_81 = arith.negf %add3A_75 : vector<4096x1xf32>
    %logistic3A_82 = math.exp %logistic3A_81 : vector<4096x1xf32>
    %logistic3A_83 = arith.constant 1.000000e+00 : f32
    %logistic3A_84 = vector.broadcast %logistic3A_83 : f32 to vector<4096x1xf32>
    %logistic3A_85 = arith.addf %logistic3A_84, %logistic3A_82 : vector<4096x1xf32>
    %logistic3A_86 = arith.divf %logistic3A_84, %logistic3A_85 : vector<4096x1xf32>
    %add3A_87 = arith.addf %logistic3A_80, %logistic3A_86 : vector<4096x1xf32>
    %mul3A_88 = arith.constant 5.000000e-01 : f32
    %mul3A_89 = vector.broadcast %mul3A_88 : f32 to vector<4096x1xf32>
    %mul3A_90 = arith.mulf %mul3A_89, %add3A_87 : vector<4096x1xf32>
    %swap3A = arith.constant 0 : index
    %swap3A_91 = arith.constant 0 : index
    %swap3A_92 = vector.load %arg14[%swap3A, %swap3A_91] : memref<4096x1xf32, #tpu.memory_space<vmem>>, vector<4096x1xf32>
    tpu.vector_store %arg14[%swap3A, %swap3A_91], %mul3A_90 {strides = array<i32>} : memref<4096x1xf32, #tpu.memory_space<vmem>>, vector<4096x1xf32>,
    return
  }
  func.func @transform_0(%arg0: i32) -> (i32, i32) {
    %c0_i32 = arith.constant 0 : i32
    %c0_i32_0 = arith.constant 0 : i32
    return %arg0, %c0_i32 : i32, i32
  }
  func.func @transform_1(%arg0: i32) -> (i32, i32) {
    %c0_i32 = arith.constant 0 : i32
    %c0_i32_0 = arith.constant 0 : i32
    return %arg0, %c0_i32 : i32, i32
  }
  func.func @transform_2(%arg0: i32) -> (i32, i32) {
    %c0_i32 = arith.constant 0 : i32
    %c0_i32_0 = arith.constant 0 : i32
    %c0_i32_1 = arith.constant 0 : i32
    return %c0_i32, %c0_i32_0 : i32, i32
  }
  func.func @transform_3(%arg0: i32) -> (i32, i32) {
    %c0_i32 = arith.constant 0 : i32
    %c0_i32_0 = arith.constant 0 : i32
    %c0_i32_1 = arith.constant 0 : i32
    return %c0_i32, %c0_i32_0 : i32, i32
  }
  func.func @transform_4(%arg0: i32) -> (i32, i32) {
    %c0_i32 = arith.constant 0 : i32
    %c0_i32_0 = arith.constant 0 : i32
    %c0_i32_1 = arith.constant 0 : i32
    return %c0_i32, %c0_i32_0 : i32, i32
  }
  func.func @transform_5(%arg0: i32) -> (i32, i32) {
    %c0_i32 = arith.constant 0 : i32
    %c0_i32_0 = arith.constant 0 : i32
    %c0_i32_1 = arith.constant 0 : i32
    return %c0_i32, %c0_i32_0 : i32, i32
  }
  func.func @transform_6(%arg0: i32) -> (i32, i32) {
    %c0_i32 = arith.constant 0 : i32
    %c0_i32_0 = arith.constant 0 : i32
    %c0_i32_1 = arith.constant 0 : i32
    return %c0_i32, %c0_i32_0 : i32, i32
  }
  func.func @transform_7(%arg0: i32) -> (i32, i32) {
    %c0_i32 = arith.constant 0 : i32
    %c0_i32_0 = arith.constant 0 : i32
    %c0_i32_1 = arith.constant 0 : i32
    return %c0_i32, %c0_i32_0 : i32, i32
  }
  func.func @transform_8(%arg0: i32) -> (i32, i32) {
    %c0_i32 = arith.constant 0 : i32
    %c0_i32_0 = arith.constant 0 : i32
    %c0_i32_1 = arith.constant 0 : i32
    return %c0_i32, %c0_i32_0 : i32, i32
  }
  func.func @transform_9(%arg0: i32) -> (i32, i32) {
    %c0_i32 = arith.constant 0 : i32
    %c0_i32_0 = arith.constant 0 : i32
    %c0_i32_1 = arith.constant 0 : i32
    return %c0_i32, %c0_i32_0 : i32, i32
  }
  func.func @transform_10(%arg0: i32) -> (i32, i32) {
    %c0_i32 = arith.constant 0 : i32
    %c0_i32_0 = arith.constant 0 : i32
    %c0_i32_1 = arith.constant 0 : i32
    return %c0_i32, %c0_i32_0 : i32, i32
  }
  func.func @transform_11(%arg0: i32) -> (i32, i32) {
    %c0_i32 = arith.constant 0 : i32
    %c0_i32_0 = arith.constant 0 : i32
    %c0_i32_1 = arith.constant 0 : i32
    return %c0_i32, %c0_i32_0 : i32, i32
  }
  func.func @transform_12(%arg0: i32) -> (i32, i32) {
    %c0_i32 = arith.constant 0 : i32
    %c0_i32_0 = arith.constant 0 : i32
    %c0_i32_1 = arith.constant 0 : i32
    return %c0_i32, %c0_i32_0 : i32, i32
  }
  func.func @transform_13(%arg0: i32) -> (i32, i32) {
    %c0_i32 = arith.constant 0 : i32
    %c0_i32_0 = arith.constant 0 : i32
    return %arg0, %c0_i32 : i32, i32
  }
}

</mosaic_0001>

<sc_bundles>
// kernel: kernel.4.cloned.1.call-start
scs
__scs_entry_jumppad:
0x0: {  	(pc) =	sbr.rel $0x88, $3  }
0x1: {  	(tag) =	ssettag $0x0;
	lr =	simm.s32 $0x1  }
0x2: {  	[smem:$0x3F91] =	sst lr;
	_ =	strace $0xD0000000  }
0x3: {  	_ = 	snop  }
0x4: {  	_ = 	snop  }
0x5: {  	_ = 	snop  }
0x6: {  	_ = 	snop  }
0x7: {  	_ = 	snop  }
__scs_overlays_trampoline_lowered:
0x8: {  	[smem:$0x3FA0] =	sst s0  }
0x9: {  	[smem:$0x3FA1] =	sst s1  }
0xa: {  	[smem:$0x3FA2] =	sst s2  }
0xb: {  	[smem:$0x3FA3] =	sst s3  }
0xc: {  	[smem:$0x3FA4] =	sst s4  }
0xd: {  	[smem:$0x3FA5] =	sst s5  }
0xe: {  	[smem:$0x3FA6] =	sst s6  }
0xf: {  	[smem:$0x3FA7] =	sst s7  }
0x10: {  	[smem:$0x3FA8] =	sst s8  }
0x11: {  	[smem:$0x3FA9] =	sst s9;
	s0 =	simm.s32 @!p0 $0x0  }
0x12: {  	s1 =	sld [smem:$0x3F8F];
	s0 =	simm.s32 @p0 $0x1  }
0x13: {  	[smem:$0x3FAA] =	sst s0;
	s0 =	simm.s32 @!p1 $0x0  }
0x14: {  	s2 =	sld [smem:$0x3F8E];
	s0 =	simm.s32 @p1 $0x1  }
0x15: {  	[smem:$0x3FAB] =	sst s0;
	s0 =	simm.s32 @!p2 $0x0  }
0x16: {  	s3 =	sld [smem:$0x3FDB];
	s0 =	simm.s32 @p2 $0x1  }
0x17: {  	s4 =	simm.s32 $0x1BF5;
	[smem:$0x3FAD] =	sst s0  }
0x18: {  	s0 =	sld [smem:$0x3F90];
	_ =	swait.ge [sflag:s4], $0x0  }
0x19: {  	s7 =	sld [smem:$0x3F91]  }
0x1a: {  	s8 =	sadd.s32 $0xFFFFE003, lr  }
0x1b: {  	s9 =	sadd.s32 $0xFFFFFEF7, lr;
	s5 =	simm.s32 $0xFFFFFFFF;
	p2 =	slt.u32 s8, $0xFFFFF086  }
0x1c: {  	p1 =	slt.u32 s9, $0xF7A;
	s5 =	simm.s32 @!p2 $0x0  }
0x1d: {  	s5 =	simm.s32 @p1 $0x1;
	p0 =	seq.s32 s7, s2  }
0x1e: {  	s7 =	smul.u32 @!p0 $0xF7A, s2;
	p2 =	seq.s32 @!p0 s5, $0x0  }
0x1f: {  	s9 =	smul.u32 $0xF7A, s1;
	s8 =	simm.s32 @!p0 $0x1BF5;
	p2 =	por !p2, p0  }
0x20: {  	[sflag:s8] =	ssyncset.s32 @!p0 $0xFFFFF086;
	s6 =	sadd.s32 @!p0 s3, s7;
	s7 =	simm.s32 @!p0 $0x108  }
0x21: {  	s3 =	sadd.s32 s3, s9;
	s6 =	sadd.s32 @!p0 $0x88, s6;
	s7 =	simm.s32 @p2 $0x1082  }
0x22: {  	[simem:s7], [sflag:s8] =	dma.local @!p0 [hbm:s6], $0xF7A  }
0x23: {  	s9 =	sor.u32 $0xD0000000, s2;
	s6 =	simm.s32 $0x108;
	_ =	swait.ge @!p0 [sflag:s8], $0x0  }
0x24: {  	s3 =	sadd.s32 $0x88, s3;
	s6 =	simm.s32 @!p1 $0x1082;
	[sflag:s4] =	ssyncset.s32 $0xFFFFF086  }
0x25: {  	[simem:s6], [sflag:s4] =	dma.local [hbm:s3], $0xF7A  }
0x26: {  	[smem:$0x3F91] =	sst s1;
	(tag) =	ssettag s2;
	_ =	strace s9  }
0x27: {  	s1 =	sld [smem:$0x3FA1]  }
0x28: {  	s2 =	sld [smem:$0x3FA2]  }
0x29: {  	s4 =	sld [smem:$0x3FA4]  }
0x2a: {  	p0 =	seq.s32 s5, $0x0;
	s5 =	sld [smem:$0x3FA5]  }
0x2b: {  	s6 =	sld [smem:$0x3FA6]  }
0x2c: {  	s7 =	sld [smem:$0x3FA7]  }
0x2d: {  	s3 =	simm.s32 $0x108;
	s8 =	sld [smem:$0x3FA8]  }
0x2e: {  	s3 =	simm.s32 @!p0 $0x1082;
	s9 =	sld [smem:$0x3FA9]  }
0x2f: {  	lr =	sadd.s32 s0, s3;
	s0 =	sld [smem:$0x3FA0]  }
0x30: {  	s3 =	sld [smem:$0x3FA3]  }
0x31: {  	[smem:$0x3FAC] =	sst s10  }
0x32: {  	s10 =	sld [smem:$0x3FAA];
	_ =	sdelay $0x3  }
0x33: {  	p0 =	seq.s32 s10, $0x1;
	s10 =	sld [smem:$0x3FAC];
	_ =	sdelay $0x3  }
0x34: {  	[smem:$0x3FAC] =	sst s10  }
0x35: {  	s10 =	sld [smem:$0x3FAB];
	_ =	sdelay $0x3  }
0x36: {  	p1 =	seq.s32 s10, $0x1;
	s10 =	sld [smem:$0x3FAC];
	_ =	sdelay $0x3  }
0x37: {  	[smem:$0x3FAC] =	sst s10  }
0x38: {  	s10 =	sld [smem:$0x3FAD]  }
0x39: {  	_ = 	snop;
	(pc) =	sbr.ind lr, $3  }
0x3a: {  	_ = 	snop  }
0x3b: {  	_ = 	snop  }
0x3c: {  	p2 =	seq.s32 s10, $0x1;
	s10 =	sld [smem:$0x3FAC]  }
0x3d: {  	_ =	shalt  }
0x3e: {  	_ =	shalt  }
0x3f: {  	_ =	shalt  }
0x40: {  	_ =	shalt  }
0x41: {  	_ =	shalt  }
0x42: {  	_ =	shalt  }
0x43: {  	_ =	shalt  }
0x44: {  	_ =	shalt  }
0x45: {  	_ =	shalt  }
0x46: {  	_ =	shalt  }
0x47: {  	_ =	shalt  }
0x48: {  	_ =	shalt  }
0x49: {  	_ =	shalt  }
0x4a: {  	_ =	shalt  }
0x4b: {  	_ =	shalt  }
0x4c: {  	_ =	shalt  }
0x4d: {  	_ =	shalt  }
0x4e: {  	_ =	shalt  }
0x4f: {  	_ =	shalt  }
0x50: {  	_ =	shalt  }
0x51: {  	_ =	shalt  }
0x52: {  	_ =	shalt  }
0x53: {  	_ =	shalt  }
0x54: {  	_ =	shalt  }
0x55: {  	_ =	shalt  }
0x56: {  	_ =	shalt  }
0x57: {  	_ =	shalt  }
0x58: {  	_ =	shalt  }
0x59: {  	_ =	shalt  }
0x5a: {  	_ =	shalt  }
0x5b: {  	_ =	shalt  }
0x5c: {  	_ =	shalt  }
0x5d: {  	_ =	shalt  }
0x5e: {  	_ =	shalt  }
0x5f: {  	_ =	shalt  }
0x60: {  	_ =	shalt  }
0x61: {  	_ =	shalt  }
0x62: {  	_ =	shalt  }
0x63: {  	_ =	shalt  }
0x64: {  	_ =	shalt  }
0x65: {  	_ =	shalt  }
0x66: {  	_ =	shalt  }
0x67: {  	_ =	shalt  }
0x68: {  	_ =	shalt  }
0x69: {  	_ =	shalt  }
0x6a: {  	_ =	shalt  }
0x6b: {  	_ =	shalt  }
0x6c: {  	_ =	shalt  }
0x6d: {  	_ =	shalt  }
0x6e: {  	_ =	shalt  }
0x6f: {  	_ =	shalt  }
0x70: {  	_ =	shalt  }
0x71: {  	_ =	shalt  }
0x72: {  	_ =	shalt  }
0x73: {  	_ =	shalt  }
0x74: {  	_ =	shalt  }
0x75: {  	_ =	shalt  }
0x76: {  	_ =	shalt  }
0x77: {  	_ =	shalt  }
0x78: {  	_ =	shalt  }
0x79: {  	_ =	shalt  }
0x7a: {  	_ =	shalt  }
0x7b: {  	_ =	shalt  }
0x7c: {  	_ =	shalt  }
0x7d: {  	_ =	shalt  }
0x7e: {  	_ =	shalt  }
0x7f: {  	_ =	shalt  }
0x80: {  	_ =	shalt  }
0x81: {  	_ =	shalt  }
0x82: {  	_ =	shalt  }
0x83: {  	_ =	shalt  }
0x84: {  	_ =	shalt  }
0x85: {  	_ =	shalt  }
0x86: {  	_ =	shalt  }
0x87: {  	_ =	shalt  }
.Lfunc_end0:
.L_simem_size_0:
called_computation_lowered:
.L_overlay_start_0:
0x88: {  	s2 =	sld [smem:$0x3FD9]  }
0x89: {  	s3 =	sld [smem:$0x3FFE];
	_ =	sdelay $0x1  }
0x8a: {  	s1 =	srdreg.scid  }
0x8b: {  	s0 =	sand.u32 $0x1, s1  }
0x8c: {  	s17 =	sshll.u32 s0, $0xA;
	s2 =	sadd.s32 s3, s2  }
0x8d: {  	s2 =	sadd.s32 s2, s17  }
0x8e: {  	[smem:$0x3FB8] =	sst s2  }
0x8f: {  	_ = 	snop  }
0x90: {  	s2 =	sld [smem:$0x3FC9]  }
0x91: {  	s18 =	sld [smem:$0x3FC8];
	(tm) =	ssettm $0x1  }
0x92: {  	s4 =	sld [smem:$0x3FFB];
	_ =	sdelay $0x3  }
0x93: {  	_ =	strace s4  }
0x94: {  	s4 =	sld [smem:$0x3FFC];
	_ =	sdelay $0x3  }
0x95: {  	_ =	strace s4  }
0x96: {  	s4 =	sld [smem:$0x3FFD];
	_ =	sdelay $0x3  }
0x97: {  	_ =	strace s4  }
0x98: {  	_ =	strace $0x8FFFFFFF  }
0x99: {  	s19 =	sld [smem:$0x3FDB];
	_ =	sdelay $0x1  }
0x9a: {  	s5 =	simm.s32 $_scs_section_size  }
0x9b: {  	s6 =	simm.s32 $_size__tile_overlayer_lowered;
	s7 =	simm.s32 $_tile_overlayer_lowered  }
0x9c: {  	s22 =	simm.s32 $0x1BFF;
	s21 =	sshll.u32 s7, $0x1;
	s4 =	sadd.s32 s5, s19  }
0x9d: {  	s8 =	simm.s32 $0x0;
	s20 =	sshll.u32 s6, $0x1;
	s6 =	sadd.s32 s21, s4  }
0x9e: {  	[timem:s8], [sflag:s22] =	dma.local [hbm:s6], s20  }
0x9f: {  	_ =	swait.ge [sflag:s22], s20  }
0xa0: {  	s5 =	ssub.s32 $0x0, s20;
	[sflag:s22] =	ssyncset.done $0x0  }
0xa1: {  	[sflag:s22] =	ssyncadd.s32 s5;
	_ =	sdelay $0x1  }
0xa2: {  	s23 =	simm.s32 $0x1B8B  }
0xa3: {  	_ =	swait.ge [sflag:s23], $0x1  }
0xa4: {  	[sflag:s23] =	ssyncset.done $0x0  }
0xa5: {  	s25 =	simm.s32 $0x1B8E;
	s24 =	sld [smem:$0x3FFE];
	[sflag:s23] =	ssyncadd.s32 $0xFFFFFFFF  }
0xa6: {  	s26 =	simm.s32 $execute0_lowered;
	[smem:$0x3FD2] =	sst s25  }
0xa7: {  	s6 =	sshll.u32 s26, $0x1;
	_ =	strace $0x80000046;
	[dreg:$0x1] =	wrdreg $0xFFFFFFFF  }
0xa8: {  	s28 =	simm.s32 $_size_execute0_lowered;
	s4 =	sadd.s32 s4, s6;
	[dreg:$0x0] =	wrdreg $0x0  }
0xa9: {  	s6 =	sshll.u32 s28, $0x1;
	[dreg:$0x2] =	wrdreg s4  }
0xaa: {  	[dreg:$0x3] =	wrdreg s6  }
0xab: {  	[dreg:$0x4] =	wrdreg $0xC0  }
0xac: {  	_ =	task [dreg:s8], $0x5FFFF  }
0xad: {  	[dreg:$0x1] =	wrdreg $0xFFFFFFFF  }
0xae: {  	[dreg:$0x0] =	wrdreg $0x60  }
0xaf: {  	[dreg:$0x2] =	wrdreg s2  }
0xb0: {  	[dreg:$0x3] =	wrdreg s18  }
0xb1: {  	[dreg:$0x4] =	wrdreg s24  }
0xb2: {  	[dreg:$0x5] =	wrdreg $0x9  }
0xb3: {  	_ =	task.clear_ibuf [dreg:s8], $0x6FFFF;
	_ =	strace $0x90000046  }
0xb4: {  	s29 =	simm.s32 $0x9;
	_ =	strace $0x80000048  }
0xb5: {  	_ =	swait.ge [sflag:s29], $0x1  }
0xb6: {  	[sflag:s29] =	ssyncadd.s32 $0xFFFFFFFF  }
0xb7: {  	_ =	strace $0x90000048  }
0xb8: {  	_ =	sfence  }
0xb9: {  	s30 =	sld [smem:$0x0];
	_ =	sdelay $0x2  }
0xba: {  	s31 =	sshll.u32 s1, $0xD;
	s1 =	sshrl.u32 s1, $0x2  }
0xbb: {  	s3 =	sand.u32 $0x4000, s31;
	s1 =	sadd.s32 s1, s30  }
0xbc: {  	s0 =	sor.u32 s3, s0;
	s1 =	sshll.u32 s1, $0x11  }
0xbd: {  	s0 =	sor.u32 s1, s0  }
0xbe: {  	s0 =	sadd.s32 $0x8F2B, s0  }
0xbf: {  	[sflag:s0] =	ssyncadd.remote.s32 $0x1  }
0xc0: {  	_ =	sfence.sel $0xFFFF  }
0xc1: {  	[dreg:$0x0] =	wrdreg $0xFFFFFFFF;
	(pc) =	sbr.abs _section_cstart, $3  }
0xc2: {  	[dreg:$0x1] =	wrdreg $0xFFFFFFFF  }
0xc3: {  	_ =	task.clear_ibuf [dreg:s8], $0x2FFFF;
	_ =	strace $0x9FFFFFFF  }
0xc4: {  	(tm) =	ssettm $0x7FFFFFFF  }
0xc5: {  	_ =	shalt  }
tec
execute0_lowered:
.L_overlay_start_1:
0x0: {  	(tag) =	ssettag $0x1  }
0x1: {  	s3 =	rddreg [dreg:$0x0]  }
0x2: {  	s5 =	rddreg [dreg:$0x1]  }
0x3: {  	s17 =	rddreg [dreg:$0x2];
	s2 =	srdreg.scid  }
0x4: {  	s0 =	rddreg [dreg:$0x3];
	s1 =	stileid.u32;
	s26 =	sand.u32 $0x1, s2  }
0x5: {  	s2 =	simm.s32 $0x0;
	s4 =	sshll.u32 s1, $0x7;
	s6 =	sshll.u32 s26, $0x6  }
0x6: {  	[smem:$0x7FF] =	sst s2;
	s6 =	sor.u32 s6, s4  }
0x7: {  	_ =	strace $0x80000047;
	s4 =	sadd.s32 s3, s6;
	s3 =	simm.s32 $0x2  }
0x8: {  	[tilespmem:s2], [sflag:$0x2] =	stream.linear.gather [hbm4b:s4+s2], $0x200, $0x38;
	[tilespmem:$0x10400] =	vst v63  }
0x9: {  	_ =	swait.ge [sflag:s3], $0x200  }
0xa: {  	[sflag:s3] =	ssyncset.done $0x0  }
0xb: {  	s5 =	sadd.s32 s5, s6;
	s6 =	simm.s32 $0x200;
	[sflag:s3] =	ssyncadd.s32 $0xFFFFFE00  }
0xc: {  	[tilespmem:s6], [sflag:$0x2] =	stream.linear.gather [hbm4b:s5+s2], $0x200, $0x38;
	[tilespmem:$0x10400] =	vst v63  }
0xd: {  	_ =	swait.ge [sflag:s3], $0x200  }
0xe: {  	s8 =	simm.s32 $0x80;
	[sflag:s3] =	ssyncset.done $0x0  }
0xf: {  	s9 =	simm.s32 $0x400;
	s7 =	sadd.s32 $0x2193C00, s17;
	[sflag:s3] =	ssyncadd.s32 $0xFFFFFE00  }
0x10: {  	[tilespmem:s9], [sflag:$0x1] =	stream.indirect.gather [hbm4b:s7+s8], $0x80, s2, s8, $0xb8;
	[tilespmem:$0x10400] =	vst v63  }
0x11: {  	s11 =	simm.s32 $0x8400;
	s10 =	sadd.s32 $0x2000, s17  }
0x12: {  	[tilespmem:s11], [sflag:$0x1] =	stream.indirect.gather [hbm4b:s10+s8], $0x80, s6, s8, $0xb8;
	[tilespmem:$0x10400] =	vst v63  }
0x13: {  	s12 =	simm.s32 $0x4400  }
0x14: {  	[tilespmem:s12], [sflag:$0x1] =	stream.indirect.gather [hbm4b:s7+s8], $0x80, s8, s8, $0xb8;
	[tilespmem:$0x10400] =	vst v63  }
0x15: {  	s13 =	simm.s32 $0x280;
	s14 =	simm.s32 $0xC400;
	s15 =	simm.s32 $0x1  }
0x16: {  	[tilespmem:s14], [sflag:$0x1] =	stream.indirect.gather [hbm4b:s10+s8], $0x80, s13, s8, $0xb8;
	[tilespmem:$0x10400] =	vst v63  }
0x17: {  	_ =	swait.ge [sflag:s15], $0x4000  }
0x18: {  	[sflag:s15] =	ssyncset.done $0x0  }
0x19: {  	[sflag:s15] =	ssyncadd.s32 $0xFFFFC000  }
0x1a: {  	s16 =	sshll.u32 s1, $0xE;
	s18 =	sshll.u32 s26, $0xD;
	_ =	swait.ge [sflag:s15], $0x4000  }
0x1b: {  	s28 =	sadd.s32 $0x188A00, s17;
	s30 =	sor.u32 s18, s16;
	[sflag:s15] =	ssyncset.done $0x0  }
0x1c: {  	s16 =	sadd.s32 s28, s30;
	[sflag:s15] =	ssyncadd.s32 $0xFFFFC000  }
0x1d: {  	[hbm4b:s16+s2] =	stream.linear.scatter [tilespmem:s9], [sflag:$0x2], $0x4000, $0x38;
	[tilespmem:$0x10400] =	vst v63  }
0x1e: {  	_ =	swait.ge [sflag:s3], $0x4000  }
0x1f: {  	s29 =	sadd.s32 $0x1C8A00, s17;
	[sflag:s3] =	ssyncset.done $0x0  }
0x20: {  	s17 =	sadd.s32 s29, s30;
	[sflag:s3] =	ssyncadd.s32 $0xFFFFC000  }
0x21: {  	[hbm4b:s17+s2] =	stream.linear.scatter [tilespmem:s11], [sflag:$0x2], $0x4000, $0x38;
	[tilespmem:$0x10400] =	vst v63  }
0x22: {  	_ =	swait.ge [sflag:s3], $0x4000  }
0x23: {  	[sflag:s3] =	ssyncset.done $0x0  }
0x24: {  	s18 =	simm.s32 $0x100;
	[sflag:s3] =	ssyncadd.s32 $0xFFFFC000  }
0x25: {  	[tilespmem:s9], [sflag:$0x1] =	stream.indirect.gather [hbm4b:s7+s8], $0x80, s18, s8, $0xb8;
	[tilespmem:$0x10400] =	vst v63  }
0x26: {  	s19 =	simm.s32 $0x300  }
0x27: {  	[tilespmem:s11], [sflag:$0x1] =	stream.indirect.gather [hbm4b:s10+s8], $0x80, s19, s8, $0xb8;
	[tilespmem:$0x10400] =	vst v63  }
0x28: {  	_ =	swait.ge [sflag:s15], $0x4000  }
0x29: {  	[sflag:s15] =	ssyncset.done $0x0  }
0x2a: {  	[sflag:s15] =	ssyncadd.s32 $0xFFFFC000  }
0x2b: {  	_ =	swait.ge [sflag:s15], $0x4000  }
0x2c: {  	s21 =	sor.u32 $0x800, s30;
	[sflag:s15] =	ssyncset.done $0x0  }
0x2d: {  	s20 =	sadd.s32 s28, s21;
	[sflag:s15] =	ssyncadd.s32 $0xFFFFC000  }
0x2e: {  	[hbm4b:s20+s2] =	stream.linear.scatter [tilespmem:s12], [sflag:$0x2], $0x4000, $0x38;
	[tilespmem:$0x10400] =	vst v63  }
0x2f: {  	_ =	swait.ge [sflag:s3], $0x4000  }
0x30: {  	[sflag:s3] =	ssyncset.done $0x0  }
0x31: {  	s21 =	sadd.s32 s29, s21;
	[sflag:s3] =	ssyncadd.s32 $0xFFFFC000  }
0x32: {  	[hbm4b:s21+s2] =	stream.linear.scatter [tilespmem:s14], [sflag:$0x2], $0x4000, $0x38;
	[tilespmem:$0x10400] =	vst v63  }
0x33: {  	_ =	swait.ge [sflag:s3], $0x4000  }
0x34: {  	[sflag:s3] =	ssyncset.done $0x0  }
0x35: {  	s22 =	simm.s32 $0x180;
	[sflag:s3] =	ssyncadd.s32 $0xFFFFC000  }
0x36: {  	[tilespmem:s12], [sflag:$0x1] =	stream.indirect.gather [hbm4b:s7+s8], $0x80, s22, s8, $0xb8;
	[tilespmem:$0x10400] =	vst v63  }
0x37: {  	s23 =	simm.s32 $0x380  }
0x38: {  	[tilespmem:s14], [sflag:$0x1] =	stream.indirect.gather [hbm4b:s10+s8], $0x80, s23, s8, $0xb8;
	[tilespmem:$0x10400] =	vst v63  }
0x39: {  	_ =	swait.ge [sflag:s15], $0x4000  }
0x3a: {  	[sflag:s15] =	ssyncset.done $0x0  }
0x3b: {  	[sflag:s15] =	ssyncadd.s32 $0xFFFFC000  }
0x3c: {  	_ =	swait.ge [sflag:s15], $0x4000  }
0x3d: {  	s25 =	sor.u32 $0x1000, s30;
	[sflag:s15] =	ssyncset.done $0x0  }
0x3e: {  	s24 =	sadd.s32 s28, s25;
	[sflag:s15] =	ssyncadd.s32 $0xFFFFC000  }
0x3f: {  	[hbm4b:s24+s2] =	stream.linear.scatter [tilespmem:s9], [sflag:$0x2], $0x4000, $0x38;
	[tilespmem:$0x10400] =	vst v63  }
0x40: {  	_ =	swait.ge [sflag:s3], $0x4000  }
0x41: {  	[sflag:s3] =	ssyncset.done $0x0  }
0x42: {  	s25 =	sadd.s32 s29, s25;
	[sflag:s3] =	ssyncadd.s32 $0xFFFFC000  }
0x43: {  	[hbm4b:s25+s2] =	stream.linear.scatter [tilespmem:s11], [sflag:$0x2], $0x4000, $0x38;
	[tilespmem:$0x10400] =	vst v63  }
0x44: {  	_ =	swait.ge [sflag:s3], $0x4000  }
0x45: {  	[sflag:s3] =	ssyncset.done $0x0  }
0x46: {  	[sflag:s3] =	ssyncadd.s32 $0xFFFFC000  }
0x47: {  	_ =	swait.ge [sflag:s15], $0x4000  }
0x48: {  	[sflag:s15] =	ssyncset.done $0x0  }
0x49: {  	s31 =	ssub.s32 $0x2, s26;
	s30 =	sor.u32 $0x1800, s30;
	[sflag:s15] =	ssyncadd.s32 $0xFFFFC000  }
0x4a: {  	s26 =	sadd.s32 s28, s30;
	s28 =	sshrl.u32 s31, $0x1;
	_ =	swait.ge [sflag:s15], $0x4000  }
0x4b: {  	s31 =	ssub.s32 s31, s28;
	[sflag:s15] =	ssyncset.done $0x0  }
0x4c: {  	s28 =	sadd.s32 s29, s30;
	s29 =	smax.u32 s31, $0x1;
	[sflag:s15] =	ssyncadd.s32 $0xFFFFC000  }
0x4d: {  	[hbm4b:s26+s2] =	stream.linear.scatter [tilespmem:s12], [sflag:$0x2], $0x4000, $0x38;
	[tilespmem:$0x10400] =	vst v63  }
0x4e: {  	p0 =	sne.s32 s29, $0x1;
	_ =	swait.ge [sflag:s3], $0x4000  }
.Ltmp0:
0x4f: {  	[sflag:s3] =	ssyncset.done $0x0;
	(pc) =	sbr.rel @!p0 .LBB2_2-.Ltmp0, $4  }
0x50: {  	[sflag:s3] =	ssyncadd.s32 $0xFFFFC000  }
0x51: {  	[hbm4b:s28+s2] =	stream.linear.scatter [tilespmem:s14], [sflag:$0x2], $0x4000, $0x38;
	[tilespmem:$0x10400] =	vst v63  }
0x52: {  	_ =	swait.ge [sflag:s3], $0x4000  }
0x53: {  	s29 =	sadd.s32 $0xFFFFFFFF, s29;
	[sflag:s3] =	ssyncset.done $0x0  }
.LBB2_1:
0x54: {  	p0 =	sne.s32 s29, $0x1;
	s29 =	sadd.s32 $0xFFFFFFFF, s29;
	[sflag:s3] =	ssyncadd.s32 $0xFFFFC000  }
0x55: {  	[tilespmem:s2], [sflag:$0x2] =	stream.linear.gather [hbm4b:s4+s2], $0x200, $0x38;
	[tilespmem:$0x10400] =	vst v63  }
0x56: {  	_ =	swait.ge [sflag:s3], $0x200  }
0x57: {  	[sflag:s3] =	ssyncset.done $0x0  }
0x58: {  	[sflag:s3] =	ssyncadd.s32 $0xFFFFFE00  }
0x59: {  	[tilespmem:s6], [sflag:$0x2] =	stream.linear.gather [hbm4b:s5+s2], $0x200, $0x38;
	[tilespmem:$0x10400] =	vst v63  }
0x5a: {  	_ =	swait.ge [sflag:s3], $0x200  }
0x5b: {  	[sflag:s3] =	ssyncset.done $0x0  }
0x5c: {  	[sflag:s3] =	ssyncadd.s32 $0xFFFFFE00  }
0x5d: {  	[tilespmem:s9], [sflag:$0x1] =	stream.indirect.gather [hbm4b:s7+s8], $0x80, s2, s8, $0xb8;
	[tilespmem:$0x10400] =	vst v63  }
0x5e: {  	_ = 	snop  }
0x5f: {  	[tilespmem:s11], [sflag:$0x1] =	stream.indirect.gather [hbm4b:s10+s8], $0x80, s6, s8, $0xb8;
	[tilespmem:$0x10400] =	vst v63  }
0x60: {  	_ = 	snop  }
0x61: {  	[tilespmem:s12], [sflag:$0x1] =	stream.indirect.gather [hbm4b:s7+s8], $0x80, s8, s8, $0xb8;
	[tilespmem:$0x10400] =	vst v63  }
0x62: {  	_ = 	snop  }
0x63: {  	[tilespmem:s14], [sflag:$0x1] =	stream.indirect.gather [hbm4b:s10+s8], $0x80, s13, s8, $0xb8;
	[tilespmem:$0x10400] =	vst v63  }
0x64: {  	_ =	swait.ge [sflag:s15], $0x4000  }
0x65: {  	[sflag:s15] =	ssyncset.done $0x0  }
0x66: {  	[sflag:s15] =	ssyncadd.s32 $0xFFFFC000  }
0x67: {  	_ =	swait.ge [sflag:s15], $0x4000  }
0x68: {  	[sflag:s15] =	ssyncset.done $0x0  }
0x69: {  	[sflag:s15] =	ssyncadd.s32 $0xFFFFC000  }
0x6a: {  	[hbm4b:s16+s2] =	stream.linear.scatter [tilespmem:s9], [sflag:$0x2], $0x4000, $0x38;
	[tilespmem:$0x10400] =	vst v63  }
0x6b: {  	_ =	swait.ge [sflag:s3], $0x4000  }
0x6c: {  	[sflag:s3] =	ssyncset.done $0x0  }
0x6d: {  	[sflag:s3] =	ssyncadd.s32 $0xFFFFC000  }
0x6e: {  	[hbm4b:s17+s2] =	stream.linear.scatter [tilespmem:s11], [sflag:$0x2], $0x4000, $0x38;
	[tilespmem:$0x10400] =	vst v63  }
0x6f: {  	_ =	swait.ge [sflag:s3], $0x4000  }
0x70: {  	[sflag:s3] =	ssyncset.done $0x0  }
0x71: {  	[sflag:s3] =	ssyncadd.s32 $0xFFFFC000  }
0x72: {  	[tilespmem:s9], [sflag:$0x1] =	stream.indirect.gather [hbm4b:s7+s8], $0x80, s18, s8, $0xb8;
	[tilespmem:$0x10400] =	vst v63  }
0x73: {  	_ = 	snop  }
0x74: {  	[tilespmem:s11], [sflag:$0x1] =	stream.indirect.gather [hbm4b:s10+s8], $0x80, s19, s8, $0xb8;
	[tilespmem:$0x10400] =	vst v63  }
0x75: {  	_ =	swait.ge [sflag:s15], $0x4000  }
0x76: {  	[sflag:s15] =	ssyncset.done $0x0  }
0x77: {  	[sflag:s15] =	ssyncadd.s32 $0xFFFFC000  }
0x78: {  	_ =	swait.ge [sflag:s15], $0x4000  }
0x79: {  	[sflag:s15] =	ssyncset.done $0x0  }
0x7a: {  	[sflag:s15] =	ssyncadd.s32 $0xFFFFC000  }
0x7b: {  	[hbm4b:s20+s2] =	stream.linear.scatter [tilespmem:s12], [sflag:$0x2], $0x4000, $0x38;
	[tilespmem:$0x10400] =	vst v63  }
0x7c: {  	_ =	swait.ge [sflag:s3], $0x4000  }
0x7d: {  	[sflag:s3] =	ssyncset.done $0x0  }
0x7e: {  	[sflag:s3] =	ssyncadd.s32 $0xFFFFC000  }
0x7f: {  	[hbm4b:s21+s2] =	stream.linear.scatter [tilespmem:s14], [sflag:$0x2], $0x4000, $0x38;
	[tilespmem:$0x10400] =	vst v63  }
0x80: {  	_ =	swait.ge [sflag:s3], $0x4000  }
0x81: {  	[sflag:s3] =	ssyncset.done $0x0  }
0x82: {  	[sflag:s3] =	ssyncadd.s32 $0xFFFFC000  }
0x83: {  	[tilespmem:s12], [sflag:$0x1] =	stream.indirect.gather [hbm4b:s7+s8], $0x80, s22, s8, $0xb8;
	[tilespmem:$0x10400] =	vst v63  }
0x84: {  	_ = 	snop  }
0x85: {  	[tilespmem:s14], [sflag:$0x1] =	stream.indirect.gather [hbm4b:s10+s8], $0x80, s23, s8, $0xb8;
	[tilespmem:$0x10400] =	vst v63  }
0x86: {  	_ =	swait.ge [sflag:s15], $0x4000  }
0x87: {  	[sflag:s15] =	ssyncset.done $0x0  }
0x88: {  	[sflag:s15] =	ssyncadd.s32 $0xFFFFC000  }
0x89: {  	_ =	swait.ge [sflag:s15], $0x4000  }
0x8a: {  	[sflag:s15] =	ssyncset.done $0x0  }
0x8b: {  	[sflag:s15] =	ssyncadd.s32 $0xFFFFC000  }
0x8c: {  	[hbm4b:s24+s2] =	stream.linear.scatter [tilespmem:s9], [sflag:$0x2], $0x4000, $0x38;
	[tilespmem:$0x10400] =	vst v63  }
0x8d: {  	_ =	swait.ge [sflag:s3], $0x4000  }
0x8e: {  	[sflag:s3] =	ssyncset.done $0x0  }
0x8f: {  	[sflag:s3] =	ssyncadd.s32 $0xFFFFC000  }
0x90: {  	[hbm4b:s25+s2] =	stream.linear.scatter [tilespmem:s11], [sflag:$0x2], $0x4000, $0x38;
	[tilespmem:$0x10400] =	vst v63  }
0x91: {  	_ =	swait.ge [sflag:s3], $0x4000  }
0x92: {  	[sflag:s3] =	ssyncset.done $0x0  }
0x93: {  	[sflag:s3] =	ssyncadd.s32 $0xFFFFC000  }
0x94: {  	_ =	swait.ge [sflag:s15], $0x4000  }
0x95: {  	[sflag:s15] =	ssyncset.done $0x0  }
0x96: {  	[sflag:s15] =	ssyncadd.s32 $0xFFFFC000  }
0x97: {  	_ =	swait.ge [sflag:s15], $0x4000  }
0x98: {  	[sflag:s15] =	ssyncset.done $0x0  }
0x99: {  	[sflag:s15] =	ssyncadd.s32 $0xFFFFC000  }
0x9a: {  	[hbm4b:s26+s2] =	stream.linear.scatter [tilespmem:s12], [sflag:$0x2], $0x4000, $0x38;
	[tilespmem:$0x10400] =	vst v63  }
0x9b: {  	_ =	swait.ge [sflag:s3], $0x4000  }
.Ltmp1:
0x9c: {  	[sflag:s3] =	ssyncset.done $0x0;
	(pc) =	sbr.rel @p0 .LBB2_1-.Ltmp1, $4  }
0x9d: {  	[sflag:s3] =	ssyncadd.s32 $0xFFFFC000  }
0x9e: {  	[hbm4b:s28+s2] =	stream.linear.scatter [tilespmem:s14], [sflag:$0x2], $0x4000, $0x38;
	[tilespmem:$0x10400] =	vst v63  }
0x9f: {  	_ =	swait.ge [sflag:s3], $0x4000  }
0xa0: {  	[sflag:s3] =	ssyncset.done $0x0  }
.LBB2_2:
0xa1: {  	[sflag:s3] =	ssyncadd.s32 $0xFFFFC000  }
0xa2: {  	_ =	sfence.sel $0x180000  }
0xa3: {  	[bflag:$0x0] =	sbarrier.arrive $0xFFFF  }
0xa4: {  	p0 =	sne.s32 s1, $0x0;
	_ =	strace $0x90000047  }
0xa5: {  	s0 =	sadd.s32 @!p0 $0x100000, s0;
	[bflag:$0x2] =	sbarrier.arrive $0xFFFF  }
0xa6: {  	[sflag:s0] =	ssyncadd.tile.s32 @!p0 $0x1;
	_ =	shalt  }
.Lfunc_end2:
_tile_overlayer_lowered:
.L_overlay_start_2:
0xa7: {  	(tag) =	ssettag $0x2  }
0xa8: {  	s0 =	rddreg [dreg:$0x0];
	s2 =	stileid.u32  }
0xa9: {  	s1 =	rddreg [dreg:$0x1];
	p0 =	sne.s32 s2, $0x0  }
0xaa: {  	s3 =	rddreg [dreg:$0x2];
	[bflag:$0x3] =	sbarrier.arrive $0xFFFF;
	s2 =	simm.s32 @!p0 $0x1C02  }
0xab: {  	[timem:s3], [sflag:s2] =	dma.local @!p0 [hbm:s0], s1  }
0xac: {  	s0 =	simm.s32 @!p0 $0x2  }
0xad: {  	_ =	swait.ge @!p0 [sflag:s0], s1  }
0xae: {  	s1 =	ssub.s32 @!p0 $0x0, s1;
	[sflag:s0] =	ssyncset.done @!p0 $0x0  }
0xaf: {  	[sflag:s0] =	ssyncadd.s32 @!p0 s1  }
0xb0: {  	[bflag:$0x3] =	sbarrier.arrive $0xFFFF  }
0xb1: {  	_ =	shalt  }

</sc_bundles>
